<compile_context>
chip_gen: v7x
topology: tpu7x:2x2x1
jax: 0.10.2.dev20260603
libtpu: 0.0.44.dev20260713+nightly
codegen_flags: <defaults>
</compile_context>

<pallas_src>
import functools
import jax
import jax.numpy as jnp
from jax import lax
from jax.experimental import pallas as pl
from jax.experimental.pallas import tpu as pltpu
from jax.experimental.pallas import tpu_sc as plsc

NC, NS, L = 2, 16, 16
B = 16384
D = 64
DH = D // NC
ROWS = 1000064
HS = 500096
MID = 499968
BPT = B // NS
QC = BPT + 256
DUMMY = ((1 << 20) - 1) << 10


def _body(user_hbm, item_hbm, eu_hbm, ei_hbm, out_hbm,
          qstage_v, uqlist, iqlist, idxg_v, valg_v, uarr_v, outbuf_v,
          slab_a, slab_b, dsem, gsem):
    c = lax.axis_index("c")
    t = lax.axis_index("s")
    iota = lax.iota(jnp.int32, L)
    dummy = jnp.full((L,), DUMMY, jnp.int32)
    bbase = t * BPT

    def partition(q_hbm, qlist):
        pltpu.sync_copy(q_hbm.at[pl.ds(bbase, BPT)], qstage_v)

        def scan(jj, cur):
            lo, hi = cur
            r = qstage_v[pl.ds(jj * L, L)]
            lomask = r < MID
            himask = r >= MID
            packed = (r << 10) | (iota + jj * L)
            nhi = plsc.all_reduce_population_count(himask)[0]
            hi = hi - nhi
            plsc.store_compressed(qlist.at[pl.ds(lo, L)], packed,
                                  mask=lomask)
            plsc.store_compressed(qlist.at[pl.ds(hi, L)], packed,
                                  mask=himask)
            lo = lo + plsc.all_reduce_population_count(lomask)[0]
            return lo, hi

        nlo, hibase = lax.fori_loop(
            0, BPT // L, scan, (jnp.int32(0), jnp.int32(QC)))
        for p in range(8):
            qlist[pl.ds(nlo + p * L, L)] = dummy
            qlist[pl.ds(hibase - 128 + p * L, L)] = dummy
        nlo_pad = (nlo + 127) & ~127
        nhi_pad = (QC - hibase + 127) & ~127
        return nlo_pad, QC - nhi_pad, nhi_pad

    unlo, uhib, unhi = partition(user_hbm, uqlist)
    inlo, ihib, inhi = partition(item_hbm, iqlist)

    for k in range(QC // L):
        outbuf_v[pl.ds(k * L, L)] = jnp.zeros((L,), jnp.float32)

    def pull(qlist, base, npad, slab, rbase, is_item):
        def build(jj, _):
            packed = qlist[pl.ds(base + jj * L, L)]
            rloc = jnp.minimum(packed >> 10, rbase + HS - 1) - rbase
            idxg_v[jj >> 3, pl.ds((jj & 7) * L, L)] = rloc
            return _

        lax.fori_loop(0, npad >> 4, build, 0)

        def fire(s, _):
            pltpu.async_copy(slab.at[idxg_v.at[s]], valg_v.at[s], gsem)
            return _

        lax.fori_loop(0, npad >> 7, fire, 0)

        def drain(s, _):
            pltpu.make_async_copy(
                slab.at[idxg_v.at[s]], valg_v.at[s], gsem).wait()
            return _

        lax.fori_loop(0, npad >> 7, drain, 0)

        def use(jj, _):
            packed = qlist[pl.ds(base + jj * L, L)]
            val = valg_v[jj >> 3, pl.ds((jj & 7) * L, L)]
            isdum = (packed >> 10) >= 1000000
            bdst = jnp.where(isdum, BPT + iota, packed & 1023)
            if is_item:
                u = plsc.load_gather(uarr_v, [bdst])
                plsc.addupdate_scatter(outbuf_v, [bdst], u * val)
            else:
                plsc.store_scatter(uarr_v, [bdst], val)
            return _

        lax.fori_loop(0, npad >> 4, use, 0)

    PIECE = 31360
    pstart = jnp.minimum(t * PIECE, HS - PIECE)

    def rowdma(tbl, dg, half, buf):
        start = pl.multiple_of(jnp.int32(half) * MID + pstart, 128)
        pltpu.async_copy(tbl.at[dg].at[pl.ds(start, PIECE)],
                         buf.at[pl.ds(pstart, PIECE)], dsem)

    def rowwait(tbl, dg, half, buf):
        start = pl.multiple_of(jnp.int32(half) * MID + pstart, 128)
        pltpu.make_async_copy(
            tbl.at[dg].at[pl.ds(start, PIECE)],
            buf.at[pl.ds(pstart, PIECE)], dsem).wait()

    rowdma(eu_hbm, c * DH, 0, slab_a)

    def step(d, _):
        dg = c * DH + d

        def unit(tbl, half, buf, fire_next, qlist, base, npad, is_item):
            fire_next()
            rowwait(tbl, dg, half, buf)

        unit(eu_hbm, 0, slab_a,
             lambda: rowdma(eu_hbm, dg, 1, slab_b),
             uqlist, 0, unlo, False)
        unit(eu_hbm, 1, slab_b,
             lambda: rowdma(ei_hbm, dg, 0, slab_a),
             uqlist, uhib, unhi, False)
        unit(ei_hbm, 0, slab_a,
             lambda: rowdma(ei_hbm, dg, 1, slab_b),
             iqlist, 0, inlo, True)

        def fire_next_d():
            @pl.when(d + 1 < DH)
            def _():
                rowdma(eu_hbm, dg + 1, 0, slab_a)

        unit(ei_hbm, 1, slab_b, fire_next_d, iqlist, ihib, inhi, True)
        return _

    lax.fori_loop(0, DH, step, 0)

    pltpu.sync_copy(outbuf_v.at[pl.ds(0, BPT)],
                    out_hbm.at[pl.ds(c * B + bbase, BPT)])


@jax.jit
def kernel(user, item, embed_user, embed_item):
    mesh = plsc.VectorSubcoreMesh(core_axis_name="c", subcore_axis_name="s",
                                  num_cores=NC, num_subcores=NS)
    run = pl.kernel(
        _body,
        out_type=jax.ShapeDtypeStruct((NC * B,), jnp.float32),
        mesh=mesh,
        compiler_params=pltpu.CompilerParams(needs_layout_passes=False),
        scratch_types=[
            pltpu.VMEM((BPT,), jnp.int32),
            pltpu.VMEM((QC,), jnp.int32),
            pltpu.VMEM((QC,), jnp.int32),
            pltpu.VMEM((QC // 128, 128), jnp.int32),
            pltpu.VMEM((QC // 128, 128), jnp.float32),
            pltpu.VMEM((BPT + L,), jnp.float32),
            pltpu.VMEM((QC,), jnp.float32),
            pltpu.VMEM_SHARED((HS,), jnp.float32),
            pltpu.VMEM_SHARED((HS,), jnp.float32),
            pltpu.SemaphoreType.DMA,
            pltpu.SemaphoreType.DMA,
        ],
    )
    out = run(user, item, embed_user.T, embed_item.T)
    return out.reshape(NC, B).sum(axis=0)

# --- scband reference (transcript-rebuilt; emitter-appended) ---
"""Pipeline reference for scband-point-mf-5308579578062 (READ-ONLY COPY).

The authoritative reference and input builder live on the scoring server;
editing this copy changes nothing except your own understanding.
"""

import jax, jax.numpy as jnp
import numpy as np

USER_NUM = 1000000
ITEM_NUM = 1000000
FACTOR_NUM = 64
BATCH = 16384

def setup_inputs(seed: int = 0) -> dict:
    key = jax.random.key(seed)
    k1, k2, k3, k4 = jax.random.split(key, 4)
    user = jax.random.randint(k1, (BATCH,), 0, USER_NUM, dtype=jnp.int64 if jax.config.jax_enable_x64 else jnp.int32).astype(jnp.int32)
    item = jax.random.randint(k2, (BATCH,), 0, ITEM_NUM, dtype=jnp.int32)
    embed_user = jax.random.normal(k3, (USER_NUM, FACTOR_NUM), dtype=jnp.float32) * 0.01
    embed_item = jax.random.normal(k4, (ITEM_NUM, FACTOR_NUM), dtype=jnp.float32) * 0.01
    return {"user": user, "item": item, "embed_user": embed_user, "embed_item": embed_item}

def reference(user, item, embed_user, embed_item):
    eu = jnp.take(embed_user, user, axis=0)
    ei = jnp.take(embed_item, item, axis=0)
    pred = (eu * ei).sum(axis=-1)
    return pred

if __name__ == "__main__":
    import jax
    _d = setup_inputs()
    print(jax.jit(kernel)(*tuple(_d.values())))

</pallas_src>

<mosaic_0001>
#map = affine_map<(d0, d1) -> (0)>
#map1 = affine_map<(d0, d1) -> (0, 0)>
module attributes {stable_mosaic.version = 14 : i64} {
  func.func @_body(%arg0: i32, %arg1: i32, %arg2: memref<16384xi32, #tpu.memory_space<hbm>>, %arg3: memref<16384xi32, #tpu.memory_space<hbm>>, %arg4: memref<64x1000000xf32, #tpu.memory_space<hbm>>, %arg5: memref<64x1000000xf32, #tpu.memory_space<hbm>>, %arg6: memref<32768xf32, #tpu.memory_space<hbm>>, %arg7: memref<1024xi32, #tpu.memory_space<vmem>>, %arg8: memref<1280xi32, #tpu.memory_space<vmem>>, %arg9: memref<1280xi32, #tpu.memory_space<vmem>>, %arg10: memref<10x128xi32, #tpu.memory_space<vmem>>, %arg11: memref<10x128xf32, #tpu.memory_space<vmem>>, %arg12: memref<1040xf32, #tpu.memory_space<vmem>>, %arg13: memref<1280xf32, #tpu.memory_space<vmem>>, %arg14: memref<500096xf32, #tpu.memory_space<vmem_shared>>, %arg15: memref<500096xf32, #tpu.memory_space<vmem_shared>>, %arg16: memref<!tpu.dma_semaphore, #tpu.memory_space<semaphore_mem>>, %arg17: memref<!tpu.dma_semaphore, #tpu.memory_space<semaphore_mem>>) attributes {dimension_semantics = [#tpu.dimension_semantics<core_parallel>, #tpu.dimension_semantics<subcore_parallel>], iteration_bounds = array<i64: 2, 16>, scalar_prefetch = 0 : i64, scratch_operands = 11 : i64, tpu.core_type = #tpu.core_type<sc_vector_subcore>, window_params = [{transform_indices = #map}, {transform_indices = #map}, {transform_indices = #map1}, {transform_indices = #map1}, {transform_indices = #map}]} {
    %iota3A = tpu.iota {dimensions = array<i32: 0>} : vector<16xi32>
    %broadcast_in_dim3A = arith.constant 1073740800 : i32
    %broadcast_in_dim3A_0 = vector.broadcast %broadcast_in_dim3A : i32 to vector<16xi32>
    %mul3A = arith.constant 1024 : i32
    %mul3A_1 = arith.muli %arg1, %mul3A : i32
    "tpu.region"() ({
      %run_scoped3A = tpu.sem_alloc : memref<!tpu.dma_semaphore, #tpu.memory_space<semaphore_mem>>
      %dma_start3A_539 = tpu.memref_slice %arg2[%mul3A_1] : memref<16384xi32, #tpu.memory_space<hbm>> -> memref<1024xi32, #tpu.memory_space<hbm>>
      %dma_start3A_540 = tpu.memref_slice %arg2[%mul3A_1] : memref<16384xi32, #tpu.memory_space<hbm>> -> memref<1024xi32, #tpu.memory_space<hbm>>
      tpu.enqueue_dma source(%dma_start3A_540 : memref<1024xi32, #tpu.memory_space<hbm>>) target(%arg7 : memref<1024xi32, #tpu.memory_space<vmem>>) target_semaphore(%run_scoped3A : memref<!tpu.dma_semaphore, #tpu.memory_space<semaphore_mem>>)
      %dma_wait3A = tpu.memref_slice %arg2[%mul3A_1] : memref<16384xi32, #tpu.memory_space<hbm>> -> memref<1024xi32, #tpu.memory_space<hbm>>
      %dma_wait3A_541 = tpu.memref_slice %arg2[%mul3A_1] : memref<16384xi32, #tpu.memory_space<hbm>> -> memref<1024xi32, #tpu.memory_space<hbm>>
      tpu.wait_dma2 semaphore(%run_scoped3A : memref<!tpu.dma_semaphore, #tpu.memory_space<semaphore_mem>>) src(%dma_wait3A_541 : memref<1024xi32, #tpu.memory_space<hbm>>) dst(%arg7 : memref<1024xi32, #tpu.memory_space<vmem>>)
      tpu.yield
    }) : () -> ()
    %scan3A = arith.constant 0 : i32
    %scan3A_2 = arith.constant 1280 : i32
    %scan3A_3 = arith.constant 0 : i32
    %scan3A_4 = arith.constant 64 : i32
    %scan3A_5 = arith.addi %scan3A_3, %scan3A_4 : i32
    %scan3A_6 = arith.constant 1 : i32
    %scan3A_7:2 = scf.for %scan3A_539 = %scan3A_3 to %scan3A_5 step %scan3A_6 iter_args(%scan3A_540 = %scan3A, %scan3A_541 = %scan3A_2) -> (i32, i32)  : i32 {
      %mul3A_542 = arith.constant 16 : i32
      %mul3A_543 = arith.muli %scan3A_539, %mul3A_542 : i32
      %get3A = arith.index_cast %mul3A_543 : i32 to index
      %get3A_544 = tpu.vector_load %arg7[%get3A] {strides = array<i32>} : memref<1024xi32, #tpu.memory_space<vmem>>, vector<16xi32>,
      %lt3A = arith.constant 499968 : i32
      %lt3A_545 = vector.broadcast %lt3A : i32 to vector<16xi32>
      %lt3A_546 = arith.cmpi slt, %get3A_544, %lt3A_545 : vector<16xi32>
      %ge3A = arith.constant 499968 : i32
      %ge3A_547 = vector.broadcast %ge3A : i32 to vector<16xi32>
      %ge3A_548 = arith.cmpi sge, %get3A_544, %ge3A_547 : vector<16xi32>
      %shift_left3A = arith.constant 10 : i32
      %shift_left3A_549 = vector.broadcast %shift_left3A : i32 to vector<16xi32>
      %shift_left3A_550 = arith.shli %get3A_544, %shift_left3A_549 : vector<16xi32>
      %mul3A_551 = arith.constant 16 : i32
      %mul3A_552 = arith.muli %scan3A_539, %mul3A_551 : i32
      %add3A_553 = vector.broadcast %mul3A_552 : i32 to vector<16xi32>
      %add3A_554 = arith.addi %iota3A, %add3A_553 : vector<16xi32>
      %or3A = arith.ori %shift_left3A_550, %add3A_554 : vector<16xi32>
      %all_reduce_population_count3A = tpu.all_reduce %ge3A_548 {dim = 0 : i64, kind = #tpu.reduction_kind<sum>} : vector<16xi1> -> vector<16xi32>
      %slice3A = vector.extract_strided_slice %all_reduce_population_count3A {offsets = [0], sizes = [1], strides = [1]} : vector<16xi32> to vector<1xi32>
      %squeeze3A = vector.extract %slice3A[0] : i32 from vector<1xi32>
      %sub3A_555 = arith.subi %scan3A_541, %squeeze3A : i32
      %swap3A_556 = arith.index_cast %scan3A_540 : i32 to index
      %swap3A_557 = tpu.vector_load %arg8[%swap3A_556] masked %lt3A_546 {strides = array<i32>} : memref<1280xi32, #tpu.memory_space<vmem>>, vector<16xi32>, vector<16xi1>
      tpu.vector_store %arg8[%swap3A_556], %or3A masked %lt3A_546 {strides = array<i32>} : memref<1280xi32, #tpu.memory_space<vmem>>, vector<16xi32>, vector<16xi1>
      %swap3A_558 = arith.index_cast %sub3A_555 : i32 to index
      %swap3A_559 = tpu.vector_load %arg8[%swap3A_558] masked %ge3A_548 {strides = array<i32>} : memref<1280xi32, #tpu.memory_space<vmem>>, vector<16xi32>, vector<16xi1>
      tpu.vector_store %arg8[%swap3A_558], %or3A masked %ge3A_548 {strides = array<i32>} : memref<1280xi32, #tpu.memory_space<vmem>>, vector<16xi32>, vector<16xi1>
      %all_reduce_population_count3A_560 = tpu.all_reduce %lt3A_546 {dim = 0 : i64, kind = #tpu.reduction_kind<sum>} : vector<16xi1> -> vector<16xi32>
      %slice3A_561 = vector.extract_strided_slice %all_reduce_population_count3A_560 {offsets = [0], sizes = [1], strides = [1]} : vector<16xi32> to vector<1xi32>
      %squeeze3A_562 = vector.extract %slice3A_561[0] : i32 from vector<1xi32>
      %add3A_563 = arith.addi %scan3A_540, %squeeze3A_562 : i32
      scf.yield %add3A_563, %sub3A_555 : i32, i32
    }
    %scan3A_8 = arith.constant 64 : i32
    %add3A = arith.constant 0 : i32
    %add3A_9 = arith.addi %scan3A_7#0, %add3A : i32
    %swap3A = arith.index_cast %add3A_9 : i32 to index
    %swap3A_10 = tpu.vector_load %arg8[%swap3A] {strides = array<i32>} : memref<1280xi32, #tpu.memory_space<vmem>>, vector<16xi32>,
    tpu.vector_store %arg8[%swap3A], %broadcast_in_dim3A_0 {strides = array<i32>} : memref<1280xi32, #tpu.memory_space<vmem>>, vector<16xi32>,
    %sub3A = arith.constant 128 : i32
    %sub3A_11 = arith.subi %scan3A_7#1, %sub3A : i32
    %add3A_12 = arith.constant 0 : i32
    %add3A_13 = arith.addi %sub3A_11, %add3A_12 : i32
    %swap3A_14 = arith.index_cast %add3A_13 : i32 to index
    %swap3A_15 = tpu.vector_load %arg8[%swap3A_14] {strides = array<i32>} : memref<1280xi32, #tpu.memory_space<vmem>>, vector<16xi32>,
    tpu.vector_store %arg8[%swap3A_14], %broadcast_in_dim3A_0 {strides = array<i32>} : memref<1280xi32, #tpu.memory_space<vmem>>, vector<16xi32>,
    %add3A_16 = arith.constant 16 : i32
    %add3A_17 = arith.addi %scan3A_7#0, %add3A_16 : i32
    %swap3A_18 = arith.index_cast %add3A_17 : i32 to index
    %swap3A_19 = tpu.vector_load %arg8[%swap3A_18] {strides = array<i32>} : memref<1280xi32, #tpu.memory_space<vmem>>, vector<16xi32>,
    tpu.vector_store %arg8[%swap3A_18], %broadcast_in_dim3A_0 {strides = array<i32>} : memref<1280xi32, #tpu.memory_space<vmem>>, vector<16xi32>,
    %sub3A_20 = arith.constant 128 : i32
    %sub3A_21 = arith.subi %scan3A_7#1, %sub3A_20 : i32
    %add3A_22 = arith.constant 16 : i32
    %add3A_23 = arith.addi %sub3A_21, %add3A_22 : i32
    %swap3A_24 = arith.index_cast %add3A_23 : i32 to index
    %swap3A_25 = tpu.vector_load %arg8[%swap3A_24] {strides = array<i32>} : memref<1280xi32, #tpu.memory_space<vmem>>, vector<16xi32>,
    tpu.vector_store %arg8[%swap3A_24], %broadcast_in_dim3A_0 {strides = array<i32>} : memref<1280xi32, #tpu.memory_space<vmem>>, vector<16xi32>,
    %add3A_26 = arith.constant 32 : i32
    %add3A_27 = arith.addi %scan3A_7#0, %add3A_26 : i32
    %swap3A_28 = arith.index_cast %add3A_27 : i32 to index
    %swap3A_29 = tpu.vector_load %arg8[%swap3A_28] {strides = array<i32>} : memref<1280xi32, #tpu.memory_space<vmem>>, vector<16xi32>,
    tpu.vector_store %arg8[%swap3A_28], %broadcast_in_dim3A_0 {strides = array<i32>} : memref<1280xi32, #tpu.memory_space<vmem>>, vector<16xi32>,
    %sub3A_30 = arith.constant 128 : i32
    %sub3A_31 = arith.subi %scan3A_7#1, %sub3A_30 : i32
    %add3A_32 = arith.constant 32 : i32
    %add3A_33 = arith.addi %sub3A_31, %add3A_32 : i32
    %swap3A_34 = arith.index_cast %add3A_33 : i32 to index
    %swap3A_35 = tpu.vector_load %arg8[%swap3A_34] {strides = array<i32>} : memref<1280xi32, #tpu.memory_space<vmem>>, vector<16xi32>,
    tpu.vector_store %arg8[%swap3A_34], %broadcast_in_dim3A_0 {strides = array<i32>} : memref<1280xi32, #tpu.memory_space<vmem>>, vector<16xi32>,
    %add3A_36 = arith.constant 48 : i32
    %add3A_37 = arith.addi %scan3A_7#0, %add3A_36 : i32
    %swap3A_38 = arith.index_cast %add3A_37 : i32 to index
    %swap3A_39 = tpu.vector_load %arg8[%swap3A_38] {strides = array<i32>} : memref<1280xi32, #tpu.memory_space<vmem>>, vector<16xi32>,
    tpu.vector_store %arg8[%swap3A_38], %broadcast_in_dim3A_0 {strides = array<i32>} : memref<1280xi32, #tpu.memory_space<vmem>>, vector<16xi32>,
    %sub3A_40 = arith.constant 128 : i32
    %sub3A_41 = arith.subi %scan3A_7#1, %sub3A_40 : i32
    %add3A_42 = arith.constant 48 : i32
    %add3A_43 = arith.addi %sub3A_41, %add3A_42 : i32
    %swap3A_44 = arith.index_cast %add3A_43 : i32 to index
    %swap3A_45 = tpu.vector_load %arg8[%swap3A_44] {strides = array<i32>} : memref<1280xi32, #tpu.memory_space<vmem>>, vector<16xi32>,
    tpu.vector_store %arg8[%swap3A_44], %broadcast_in_dim3A_0 {strides = array<i32>} : memref<1280xi32, #tpu.memory_space<vmem>>, vector<16xi32>,
    %add3A_46 = arith.constant 64 : i32
    %add3A_47 = arith.addi %scan3A_7#0, %add3A_46 : i32
    %swap3A_48 = arith.index_cast %add3A_47 : i32 to index
    %swap3A_49 = tpu.vector_load %arg8[%swap3A_48] {strides = array<i32>} : memref<1280xi32, #tpu.memory_space<vmem>>, vector<16xi32>,
    tpu.vector_store %arg8[%swap3A_48], %broadcast_in_dim3A_0 {strides = array<i32>} : memref<1280xi32, #tpu.memory_space<vmem>>, vector<16xi32>,
    %sub3A_50 = arith.constant 128 : i32
    %sub3A_51 = arith.subi %scan3A_7#1, %sub3A_50 : i32
    %add3A_52 = arith.constant 64 : i32
    %add3A_53 = arith.addi %sub3A_51, %add3A_52 : i32
    %swap3A_54 = arith.index_cast %add3A_53 : i32 to index
    %swap3A_55 = tpu.vector_load %arg8[%swap3A_54] {strides = array<i32>} : memref<1280xi32, #tpu.memory_space<vmem>>, vector<16xi32>,
    tpu.vector_store %arg8[%swap3A_54], %broadcast_in_dim3A_0 {strides = array<i32>} : memref<1280xi32, #tpu.memory_space<vmem>>, vector<16xi32>,
    %add3A_56 = arith.constant 80 : i32
    %add3A_57 = arith.addi %scan3A_7#0, %add3A_56 : i32
    %swap3A_58 = arith.index_cast %add3A_57 : i32 to index
    %swap3A_59 = tpu.vector_load %arg8[%swap3A_58] {strides = array<i32>} : memref<1280xi32, #tpu.memory_space<vmem>>, vector<16xi32>,
    tpu.vector_store %arg8[%swap3A_58], %broadcast_in_dim3A_0 {strides = array<i32>} : memref<1280xi32, #tpu.memory_space<vmem>>, vector<16xi32>,
    %sub3A_60 = arith.constant 128 : i32
    %sub3A_61 = arith.subi %scan3A_7#1, %sub3A_60 : i32
    %add3A_62 = arith.constant 80 : i32
    %add3A_63 = arith.addi %sub3A_61, %add3A_62 : i32
    %swap3A_64 = arith.index_cast %add3A_63 : i32 to index
    %swap3A_65 = tpu.vector_load %arg8[%swap3A_64] {strides = array<i32>} : memref<1280xi32, #tpu.memory_space<vmem>>, vector<16xi32>,
    tpu.vector_store %arg8[%swap3A_64], %broadcast_in_dim3A_0 {strides = array<i32>} : memref<1280xi32, #tpu.memory_space<vmem>>, vector<16xi32>,
    %add3A_66 = arith.constant 96 : i32
    %add3A_67 = arith.addi %scan3A_7#0, %add3A_66 : i32
    %swap3A_68 = arith.index_cast %add3A_67 : i32 to index
    %swap3A_69 = tpu.vector_load %arg8[%swap3A_68] {strides = array<i32>} : memref<1280xi32, #tpu.memory_space<vmem>>, vector<16xi32>,
    tpu.vector_store %arg8[%swap3A_68], %broadcast_in_dim3A_0 {strides = array<i32>} : memref<1280xi32, #tpu.memory_space<vmem>>, vector<16xi32>,
    %sub3A_70 = arith.constant 128 : i32
    %sub3A_71 = arith.subi %scan3A_7#1, %sub3A_70 : i32
    %add3A_72 = arith.constant 96 : i32
    %add3A_73 = arith.addi %sub3A_71, %add3A_72 : i32
    %swap3A_74 = arith.index_cast %add3A_73 : i32 to index
    %swap3A_75 = tpu.vector_load %arg8[%swap3A_74] {strides = array<i32>} : memref<1280xi32, #tpu.memory_space<vmem>>, vector<16xi32>,
    tpu.vector_store %arg8[%swap3A_74], %broadcast_in_dim3A_0 {strides = array<i32>} : memref<1280xi32, #tpu.memory_space<vmem>>, vector<16xi32>,
    %add3A_76 = arith.constant 112 : i32
    %add3A_77 = arith.addi %scan3A_7#0, %add3A_76 : i32
    %swap3A_78 = arith.index_cast %add3A_77 : i32 to index
    %swap3A_79 = tpu.vector_load %arg8[%swap3A_78] {strides = array<i32>} : memref<1280xi32, #tpu.memory_space<vmem>>, vector<16xi32>,
    tpu.vector_store %arg8[%swap3A_78], %broadcast_in_dim3A_0 {strides = array<i32>} : memref<1280xi32, #tpu.memory_space<vmem>>, vector<16xi32>,
    %sub3A_80 = arith.constant 128 : i32
    %sub3A_81 = arith.subi %scan3A_7#1, %sub3A_80 : i32
    %add3A_82 = arith.constant 112 : i32
    %add3A_83 = arith.addi %sub3A_81, %add3A_82 : i32
    %swap3A_84 = arith.index_cast %add3A_83 : i32 to index
    %swap3A_85 = tpu.vector_load %arg8[%swap3A_84] {strides = array<i32>} : memref<1280xi32, #tpu.memory_space<vmem>>, vector<16xi32>,
    tpu.vector_store %arg8[%swap3A_84], %broadcast_in_dim3A_0 {strides = array<i32>} : memref<1280xi32, #tpu.memory_space<vmem>>, vector<16xi32>,
    %add3A_86 = arith.constant 127 : i32
    %add3A_87 = arith.addi %scan3A_7#0, %add3A_86 : i32
    %and3A = arith.constant -128 : i32
    %and3A_88 = arith.andi %add3A_87, %and3A : i32
    %sub3A_89 = arith.constant 1280 : i32
    %sub3A_90 = arith.subi %sub3A_89, %scan3A_7#1 : i32
    %add3A_91 = arith.constant 127 : i32
    %add3A_92 = arith.addi %sub3A_90, %add3A_91 : i32
    %and3A_93 = arith.constant -128 : i32
    %and3A_94 = arith.andi %add3A_92, %and3A_93 : i32
    %sub3A_95 = arith.constant 1280 : i32
    %sub3A_96 = arith.subi %sub3A_95, %and3A_94 : i32
    "tpu.region"() ({
      %run_scoped3A = tpu.sem_alloc : memref<!tpu.dma_semaphore, #tpu.memory_space<semaphore_mem>>
      %dma_start3A_539 = tpu.memref_slice %arg3[%mul3A_1] : memref<16384xi32, #tpu.memory_space<hbm>> -> memref<1024xi32, #tpu.memory_space<hbm>>
      %dma_start3A_540 = tpu.memref_slice %arg3[%mul3A_1] : memref<16384xi32, #tpu.memory_space<hbm>> -> memref<1024xi32, #tpu.memory_space<hbm>>
      tpu.enqueue_dma source(%dma_start3A_540 : memref<1024xi32, #tpu.memory_space<hbm>>) target(%arg7 : memref<1024xi32, #tpu.memory_space<vmem>>) target_semaphore(%run_scoped3A : memref<!tpu.dma_semaphore, #tpu.memory_space<semaphore_mem>>)
      %dma_wait3A = tpu.memref_slice %arg3[%mul3A_1] : memref<16384xi32, #tpu.memory_space<hbm>> -> memref<1024xi32, #tpu.memory_space<hbm>>
      %dma_wait3A_541 = tpu.memref_slice %arg3[%mul3A_1] : memref<16384xi32, #tpu.memory_space<hbm>> -> memref<1024xi32, #tpu.memory_space<hbm>>
      tpu.wait_dma2 semaphore(%run_scoped3A : memref<!tpu.dma_semaphore, #tpu.memory_space<semaphore_mem>>) src(%dma_wait3A_541 : memref<1024xi32, #tpu.memory_space<hbm>>) dst(%arg7 : memref<1024xi32, #tpu.memory_space<vmem>>)
      tpu.yield
    }) : () -> ()
    %scan3A_97 = arith.constant 0 : i32
    %scan3A_98 = arith.constant 1280 : i32
    %scan3A_99 = arith.constant 0 : i32
    %scan3A_100 = arith.constant 64 : i32
    %scan3A_101 = arith.addi %scan3A_99, %scan3A_100 : i32
    %scan3A_102 = arith.constant 1 : i32
    %scan3A_103:2 = scf.for %scan3A_539 = %scan3A_99 to %scan3A_101 step %scan3A_102 iter_args(%scan3A_540 = %scan3A_97, %scan3A_541 = %scan3A_98) -> (i32, i32)  : i32 {
      %mul3A_542 = arith.constant 16 : i32
      %mul3A_543 = arith.muli %scan3A_539, %mul3A_542 : i32
      %get3A = arith.index_cast %mul3A_543 : i32 to index
      %get3A_544 = tpu.vector_load %arg7[%get3A] {strides = array<i32>} : memref<1024xi32, #tpu.memory_space<vmem>>, vector<16xi32>,
      %lt3A = arith.constant 499968 : i32
      %lt3A_545 = vector.broadcast %lt3A : i32 to vector<16xi32>
      %lt3A_546 = arith.cmpi slt, %get3A_544, %lt3A_545 : vector<16xi32>
      %ge3A = arith.constant 499968 : i32
      %ge3A_547 = vector.broadcast %ge3A : i32 to vector<16xi32>
      %ge3A_548 = arith.cmpi sge, %get3A_544, %ge3A_547 : vector<16xi32>
      %shift_left3A = arith.constant 10 : i32
      %shift_left3A_549 = vector.broadcast %shift_left3A : i32 to vector<16xi32>
      %shift_left3A_550 = arith.shli %get3A_544, %shift_left3A_549 : vector<16xi32>
      %mul3A_551 = arith.constant 16 : i32
      %mul3A_552 = arith.muli %scan3A_539, %mul3A_551 : i32
      %add3A_553 = vector.broadcast %mul3A_552 : i32 to vector<16xi32>
      %add3A_554 = arith.addi %iota3A, %add3A_553 : vector<16xi32>
      %or3A = arith.ori %shift_left3A_550, %add3A_554 : vector<16xi32>
      %all_reduce_population_count3A = tpu.all_reduce %ge3A_548 {dim = 0 : i64, kind = #tpu.reduction_kind<sum>} : vector<16xi1> -> vector<16xi32>
      %slice3A = vector.extract_strided_slice %all_reduce_population_count3A {offsets = [0], sizes = [1], strides = [1]} : vector<16xi32> to vector<1xi32>
      %squeeze3A = vector.extract %slice3A[0] : i32 from vector<1xi32>
      %sub3A_555 = arith.subi %scan3A_541, %squeeze3A : i32
      %swap3A_556 = arith.index_cast %scan3A_540 : i32 to index
      %swap3A_557 = tpu.vector_load %arg9[%swap3A_556] masked %lt3A_546 {strides = array<i32>} : memref<1280xi32, #tpu.memory_space<vmem>>, vector<16xi32>, vector<16xi1>
      tpu.vector_store %arg9[%swap3A_556], %or3A masked %lt3A_546 {strides = array<i32>} : memref<1280xi32, #tpu.memory_space<vmem>>, vector<16xi32>, vector<16xi1>
      %swap3A_558 = arith.index_cast %sub3A_555 : i32 to index
      %swap3A_559 = tpu.vector_load %arg9[%swap3A_558] masked %ge3A_548 {strides = array<i32>} : memref<1280xi32, #tpu.memory_space<vmem>>, vector<16xi32>, vector<16xi1>
      tpu.vector_store %arg9[%swap3A_558], %or3A masked %ge3A_548 {strides = array<i32>} : memref<1280xi32, #tpu.memory_space<vmem>>, vector<16xi32>, vector<16xi1>
      %all_reduce_population_count3A_560 = tpu.all_reduce %lt3A_546 {dim = 0 : i64, kind = #tpu.reduction_kind<sum>} : vector<16xi1> -> vector<16xi32>
      %slice3A_561 = vector.extract_strided_slice %all_reduce_population_count3A_560 {offsets = [0], sizes = [1], strides = [1]} : vector<16xi32> to vector<1xi32>
      %squeeze3A_562 = vector.extract %slice3A_561[0] : i32 from vector<1xi32>
      %add3A_563 = arith.addi %scan3A_540, %squeeze3A_562 : i32
      scf.yield %add3A_563, %sub3A_555 : i32, i32
    }
    %scan3A_104 = arith.constant 64 : i32
    %add3A_105 = arith.constant 0 : i32
    %add3A_106 = arith.addi %scan3A_103#0, %add3A_105 : i32
    %swap3A_107 = arith.index_cast %add3A_106 : i32 to index
    %swap3A_108 = tpu.vector_load %arg9[%swap3A_107] {strides = array<i32>} : memref<1280xi32, #tpu.memory_space<vmem>>, vector<16xi32>,
    tpu.vector_store %arg9[%swap3A_107], %broadcast_in_dim3A_0 {strides = array<i32>} : memref<1280xi32, #tpu.memory_space<vmem>>, vector<16xi32>,
    %sub3A_109 = arith.constant 128 : i32
    %sub3A_110 = arith.subi %scan3A_103#1, %sub3A_109 : i32
    %add3A_111 = arith.constant 0 : i32
    %add3A_112 = arith.addi %sub3A_110, %add3A_111 : i32
    %swap3A_113 = arith.index_cast %add3A_112 : i32 to index
    %swap3A_114 = tpu.vector_load %arg9[%swap3A_113] {strides = array<i32>} : memref<1280xi32, #tpu.memory_space<vmem>>, vector<16xi32>,
    tpu.vector_store %arg9[%swap3A_113], %broadcast_in_dim3A_0 {strides = array<i32>} : memref<1280xi32, #tpu.memory_space<vmem>>, vector<16xi32>,
    %add3A_115 = arith.constant 16 : i32
    %add3A_116 = arith.addi %scan3A_103#0, %add3A_115 : i32
    %swap3A_117 = arith.index_cast %add3A_116 : i32 to index
    %swap3A_118 = tpu.vector_load %arg9[%swap3A_117] {strides = array<i32>} : memref<1280xi32, #tpu.memory_space<vmem>>, vector<16xi32>,
    tpu.vector_store %arg9[%swap3A_117], %broadcast_in_dim3A_0 {strides = array<i32>} : memref<1280xi32, #tpu.memory_space<vmem>>, vector<16xi32>,
    %sub3A_119 = arith.constant 128 : i32
    %sub3A_120 = arith.subi %scan3A_103#1, %sub3A_119 : i32
    %add3A_121 = arith.constant 16 : i32
    %add3A_122 = arith.addi %sub3A_120, %add3A_121 : i32
    %swap3A_123 = arith.index_cast %add3A_122 : i32 to index
    %swap3A_124 = tpu.vector_load %arg9[%swap3A_123] {strides = array<i32>} : memref<1280xi32, #tpu.memory_space<vmem>>, vector<16xi32>,
    tpu.vector_store %arg9[%swap3A_123], %broadcast_in_dim3A_0 {strides = array<i32>} : memref<1280xi32, #tpu.memory_space<vmem>>, vector<16xi32>,
    %add3A_125 = arith.constant 32 : i32
    %add3A_126 = arith.addi %scan3A_103#0, %add3A_125 : i32
    %swap3A_127 = arith.index_cast %add3A_126 : i32 to index
    %swap3A_128 = tpu.vector_load %arg9[%swap3A_127] {strides = array<i32>} : memref<1280xi32, #tpu.memory_space<vmem>>, vector<16xi32>,
    tpu.vector_store %arg9[%swap3A_127], %broadcast_in_dim3A_0 {strides = array<i32>} : memref<1280xi32, #tpu.memory_space<vmem>>, vector<16xi32>,
    %sub3A_129 = arith.constant 128 : i32
    %sub3A_130 = arith.subi %scan3A_103#1, %sub3A_129 : i32
    %add3A_131 = arith.constant 32 : i32
    %add3A_132 = arith.addi %sub3A_130, %add3A_131 : i32
    %swap3A_133 = arith.index_cast %add3A_132 : i32 to index
    %swap3A_134 = tpu.vector_load %arg9[%swap3A_133] {strides = array<i32>} : memref<1280xi32, #tpu.memory_space<vmem>>, vector<16xi32>,
    tpu.vector_store %arg9[%swap3A_133], %broadcast_in_dim3A_0 {strides = array<i32>} : memref<1280xi32, #tpu.memory_space<vmem>>, vector<16xi32>,
    %add3A_135 = arith.constant 48 : i32
    %add3A_136 = arith.addi %scan3A_103#0, %add3A_135 : i32
    %swap3A_137 = arith.index_cast %add3A_136 : i32 to index
    %swap3A_138 = tpu.vector_load %arg9[%swap3A_137] {strides = array<i32>} : memref<1280xi32, #tpu.memory_space<vmem>>, vector<16xi32>,
    tpu.vector_store %arg9[%swap3A_137], %broadcast_in_dim3A_0 {strides = array<i32>} : memref<1280xi32, #tpu.memory_space<vmem>>, vector<16xi32>,
    %sub3A_139 = arith.constant 128 : i32
    %sub3A_140 = arith.subi %scan3A_103#1, %sub3A_139 : i32
    %add3A_141 = arith.constant 48 : i32
    %add3A_142 = arith.addi %sub3A_140, %add3A_141 : i32
    %swap3A_143 = arith.index_cast %add3A_142 : i32 to index
    %swap3A_144 = tpu.vector_load %arg9[%swap3A_143] {strides = array<i32>} : memref<1280xi32, #tpu.memory_space<vmem>>, vector<16xi32>,
    tpu.vector_store %arg9[%swap3A_143], %broadcast_in_dim3A_0 {strides = array<i32>} : memref<1280xi32, #tpu.memory_space<vmem>>, vector<16xi32>,
    %add3A_145 = arith.constant 64 : i32
    %add3A_146 = arith.addi %scan3A_103#0, %add3A_145 : i32
    %swap3A_147 = arith.index_cast %add3A_146 : i32 to index
    %swap3A_148 = tpu.vector_load %arg9[%swap3A_147] {strides = array<i32>} : memref<1280xi32, #tpu.memory_space<vmem>>, vector<16xi32>,
    tpu.vector_store %arg9[%swap3A_147], %broadcast_in_dim3A_0 {strides = array<i32>} : memref<1280xi32, #tpu.memory_space<vmem>>, vector<16xi32>,
    %sub3A_149 = arith.constant 128 : i32
    %sub3A_150 = arith.subi %scan3A_103#1, %sub3A_149 : i32
    %add3A_151 = arith.constant 64 : i32
    %add3A_152 = arith.addi %sub3A_150, %add3A_151 : i32
    %swap3A_153 = arith.index_cast %add3A_152 : i32 to index
    %swap3A_154 = tpu.vector_load %arg9[%swap3A_153] {strides = array<i32>} : memref<1280xi32, #tpu.memory_space<vmem>>, vector<16xi32>,
    tpu.vector_store %arg9[%swap3A_153], %broadcast_in_dim3A_0 {strides = array<i32>} : memref<1280xi32, #tpu.memory_space<vmem>>, vector<16xi32>,
    %add3A_155 = arith.constant 80 : i32
    %add3A_156 = arith.addi %scan3A_103#0, %add3A_155 : i32
    %swap3A_157 = arith.index_cast %add3A_156 : i32 to index
    %swap3A_158 = tpu.vector_load %arg9[%swap3A_157] {strides = array<i32>} : memref<1280xi32, #tpu.memory_space<vmem>>, vector<16xi32>,
    tpu.vector_store %arg9[%swap3A_157], %broadcast_in_dim3A_0 {strides = array<i32>} : memref<1280xi32, #tpu.memory_space<vmem>>, vector<16xi32>,
    %sub3A_159 = arith.constant 128 : i32
    %sub3A_160 = arith.subi %scan3A_103#1, %sub3A_159 : i32
    %add3A_161 = arith.constant 80 : i32
    %add3A_162 = arith.addi %sub3A_160, %add3A_161 : i32
    %swap3A_163 = arith.index_cast %add3A_162 : i32 to index
    %swap3A_164 = tpu.vector_load %arg9[%swap3A_163] {strides = array<i32>} : memref<1280xi32, #tpu.memory_space<vmem>>, vector<16xi32>,
    tpu.vector_store %arg9[%swap3A_163], %broadcast_in_dim3A_0 {strides = array<i32>} : memref<1280xi32, #tpu.memory_space<vmem>>, vector<16xi32>,
    %add3A_165 = arith.constant 96 : i32
    %add3A_166 = arith.addi %scan3A_103#0, %add3A_165 : i32
    %swap3A_167 = arith.index_cast %add3A_166 : i32 to index
    %swap3A_168 = tpu.vector_load %arg9[%swap3A_167] {strides = array<i32>} : memref<1280xi32, #tpu.memory_space<vmem>>, vector<16xi32>,
    tpu.vector_store %arg9[%swap3A_167], %broadcast_in_dim3A_0 {strides = array<i32>} : memref<1280xi32, #tpu.memory_space<vmem>>, vector<16xi32>,
    %sub3A_169 = arith.constant 128 : i32
    %sub3A_170 = arith.subi %scan3A_103#1, %sub3A_169 : i32
    %add3A_171 = arith.constant 96 : i32
    %add3A_172 = arith.addi %sub3A_170, %add3A_171 : i32
    %swap3A_173 = arith.index_cast %add3A_172 : i32 to index
    %swap3A_174 = tpu.vector_load %arg9[%swap3A_173] {strides = array<i32>} : memref<1280xi32, #tpu.memory_space<vmem>>, vector<16xi32>,
    tpu.vector_store %arg9[%swap3A_173], %broadcast_in_dim3A_0 {strides = array<i32>} : memref<1280xi32, #tpu.memory_space<vmem>>, vector<16xi32>,
    %add3A_175 = arith.constant 112 : i32
    %add3A_176 = arith.addi %scan3A_103#0, %add3A_175 : i32
    %swap3A_177 = arith.index_cast %add3A_176 : i32 to index
    %swap3A_178 = tpu.vector_load %arg9[%swap3A_177] {strides = array<i32>} : memref<1280xi32, #tpu.memory_space<vmem>>, vector<16xi32>,
    tpu.vector_store %arg9[%swap3A_177], %broadcast_in_dim3A_0 {strides = array<i32>} : memref<1280xi32, #tpu.memory_space<vmem>>, vector<16xi32>,
    %sub3A_179 = arith.constant 128 : i32
    %sub3A_180 = arith.subi %scan3A_103#1, %sub3A_179 : i32
    %add3A_181 = arith.constant 112 : i32
    %add3A_182 = arith.addi %sub3A_180, %add3A_181 : i32
    %swap3A_183 = arith.index_cast %add3A_182 : i32 to index
    %swap3A_184 = tpu.vector_load %arg9[%swap3A_183] {strides = array<i32>} : memref<1280xi32, #tpu.memory_space<vmem>>, vector<16xi32>,
    tpu.vector_store %arg9[%swap3A_183], %broadcast_in_dim3A_0 {strides = array<i32>} : memref<1280xi32, #tpu.memory_space<vmem>>, vector<16xi32>,
    %add3A_185 = arith.constant 127 : i32
    %add3A_186 = arith.addi %scan3A_103#0, %add3A_185 : i32
    %and3A_187 = arith.constant -128 : i32
    %and3A_188 = arith.andi %add3A_186, %and3A_187 : i32
    %sub3A_189 = arith.constant 1280 : i32
    %sub3A_190 = arith.subi %sub3A_189, %scan3A_103#1 : i32
    %add3A_191 = arith.constant 127 : i32
    %add3A_192 = arith.addi %sub3A_190, %add3A_191 : i32
    %and3A_193 = arith.constant -128 : i32
    %and3A_194 = arith.andi %add3A_192, %and3A_193 : i32
    %sub3A_195 = arith.constant 1280 : i32
    %sub3A_196 = arith.subi %sub3A_195, %and3A_194 : i32
    %broadcast_in_dim3A_197 = arith.constant 0.000000e+00 : f32
    %broadcast_in_dim3A_198 = vector.broadcast %broadcast_in_dim3A_197 : f32 to vector<16xf32>
    %swap3A_199 = arith.constant 0 : index
    %swap3A_200 = tpu.vector_load %arg13[%swap3A_199] {strides = array<i32>} : memref<1280xf32, #tpu.memory_space<vmem>>, vector<16xf32>,
    tpu.vector_store %arg13[%swap3A_199], %broadcast_in_dim3A_198 {strides = array<i32>} : memref<1280xf32, #tpu.memory_space<vmem>>, vector<16xf32>,
    %broadcast_in_dim3A_201 = arith.constant 0.000000e+00 : f32
    %broadcast_in_dim3A_202 = vector.broadcast %broadcast_in_dim3A_201 : f32 to vector<16xf32>
    %swap3A_203 = arith.constant 16 : index
    %swap3A_204 = tpu.vector_load %arg13[%swap3A_203] {strides = array<i32>} : memref<1280xf32, #tpu.memory_space<vmem>>, vector<16xf32>,
    tpu.vector_store %arg13[%swap3A_203], %broadcast_in_dim3A_202 {strides = array<i32>} : memref<1280xf32, #tpu.memory_space<vmem>>, vector<16xf32>,
    %broadcast_in_dim3A_205 = arith.constant 0.000000e+00 : f32
    %broadcast_in_dim3A_206 = vector.broadcast %broadcast_in_dim3A_205 : f32 to vector<16xf32>
    %swap3A_207 = arith.constant 32 : index
    %swap3A_208 = tpu.vector_load %arg13[%swap3A_207] {strides = array<i32>} : memref<1280xf32, #tpu.memory_space<vmem>>, vector<16xf32>,
    tpu.vector_store %arg13[%swap3A_207], %broadcast_in_dim3A_206 {strides = array<i32>} : memref<1280xf32, #tpu.memory_space<vmem>>, vector<16xf32>,
    %broadcast_in_dim3A_209 = arith.constant 0.000000e+00 : f32
    %broadcast_in_dim3A_210 = vector.broadcast %broadcast_in_dim3A_209 : f32 to vector<16xf32>
    %swap3A_211 = arith.constant 48 : index
    %swap3A_212 = tpu.vector_load %arg13[%swap3A_211] {strides = array<i32>} : memref<1280xf32, #tpu.memory_space<vmem>>, vector<16xf32>,
    tpu.vector_store %arg13[%swap3A_211], %broadcast_in_dim3A_210 {strides = array<i32>} : memref<1280xf32, #tpu.memory_space<vmem>>, vector<16xf32>,
    %broadcast_in_dim3A_213 = arith.constant 0.000000e+00 : f32
    %broadcast_in_dim3A_214 = vector.broadcast %broadcast_in_dim3A_213 : f32 to vector<16xf32>
    %swap3A_215 = arith.constant 64 : index
    %swap3A_216 = tpu.vector_load %arg13[%swap3A_215] {strides = array<i32>} : memref<1280xf32, #tpu.memory_space<vmem>>, vector<16xf32>,
    tpu.vector_store %arg13[%swap3A_215], %broadcast_in_dim3A_214 {strides = array<i32>} : memref<1280xf32, #tpu.memory_space<vmem>>, vector<16xf32>,
    %broadcast_in_dim3A_217 = arith.constant 0.000000e+00 : f32
    %broadcast_in_dim3A_218 = vector.broadcast %broadcast_in_dim3A_217 : f32 to vector<16xf32>
    %swap3A_219 = arith.constant 80 : index
    %swap3A_220 = tpu.vector_load %arg13[%swap3A_219] {strides = array<i32>} : memref<1280xf32, #tpu.memory_space<vmem>>, vector<16xf32>,
    tpu.vector_store %arg13[%swap3A_219], %broadcast_in_dim3A_218 {strides = array<i32>} : memref<1280xf32, #tpu.memory_space<vmem>>, vector<16xf32>,
    %broadcast_in_dim3A_221 = arith.constant 0.000000e+00 : f32
    %broadcast_in_dim3A_222 = vector.broadcast %broadcast_in_dim3A_221 : f32 to vector<16xf32>
    %swap3A_223 = arith.constant 96 : index
    %swap3A_224 = tpu.vector_load %arg13[%swap3A_223] {strides = array<i32>} : memref<1280xf32, #tpu.memory_space<vmem>>, vector<16xf32>,
    tpu.vector_store %arg13[%swap3A_223], %broadcast_in_dim3A_222 {strides = array<i32>} : memref<1280xf32, #tpu.memory_space<vmem>>, vector<16xf32>,
    %broadcast_in_dim3A_225 = arith.constant 0.000000e+00 : f32
    %broadcast_in_dim3A_226 = vector.broadcast %broadcast_in_dim3A_225 : f32 to vector<16xf32>
    %swap3A_227 = arith.constant 112 : index
    %swap3A_228 = tpu.vector_load %arg13[%swap3A_227] {strides = array<i32>} : memref<1280xf32, #tpu.memory_space<vmem>>, vector<16xf32>,
    tpu.vector_store %arg13[%swap3A_227], %broadcast_in_dim3A_226 {strides = array<i32>} : memref<1280xf32, #tpu.memory_space<vmem>>, vector<16xf32>,
    %broadcast_in_dim3A_229 = arith.constant 0.000000e+00 : f32
    %broadcast_in_dim3A_230 = vector.broadcast %broadcast_in_dim3A_229 : f32 to vector<16xf32>
    %swap3A_231 = arith.constant 128 : index
    %swap3A_232 = tpu.vector_load %arg13[%swap3A_231] {strides = array<i32>} : memref<1280xf32, #tpu.memory_space<vmem>>, vector<16xf32>,
    tpu.vector_store %arg13[%swap3A_231], %broadcast_in_dim3A_230 {strides = array<i32>} : memref<1280xf32, #tpu.memory_space<vmem>>, vector<16xf32>,
    %broadcast_in_dim3A_233 = arith.constant 0.000000e+00 : f32
    %broadcast_in_dim3A_234 = vector.broadcast %broadcast_in_dim3A_233 : f32 to vector<16xf32>
    %swap3A_235 = arith.constant 144 : index
    %swap3A_236 = tpu.vector_load %arg13[%swap3A_235] {strides = array<i32>} : memref<1280xf32, #tpu.memory_space<vmem>>, vector<16xf32>,
    tpu.vector_store %arg13[%swap3A_235], %broadcast_in_dim3A_234 {strides = array<i32>} : memref<1280xf32, #tpu.memory_space<vmem>>, vector<16xf32>,
    %broadcast_in_dim3A_237 = arith.constant 0.000000e+00 : f32
    %broadcast_in_dim3A_238 = vector.broadcast %broadcast_in_dim3A_237 : f32 to vector<16xf32>
    %swap3A_239 = arith.constant 160 : index
    %swap3A_240 = tpu.vector_load %arg13[%swap3A_239] {strides = array<i32>} : memref<1280xf32, #tpu.memory_space<vmem>>, vector<16xf32>,
    tpu.vector_store %arg13[%swap3A_239], %broadcast_in_dim3A_238 {strides = array<i32>} : memref<1280xf32, #tpu.memory_space<vmem>>, vector<16xf32>,
    %broadcast_in_dim3A_241 = arith.constant 0.000000e+00 : f32
    %broadcast_in_dim3A_242 = vector.broadcast %broadcast_in_dim3A_241 : f32 to vector<16xf32>
    %swap3A_243 = arith.constant 176 : index
    %swap3A_244 = tpu.vector_load %arg13[%swap3A_243] {strides = array<i32>} : memref<1280xf32, #tpu.memory_space<vmem>>, vector<16xf32>,
    tpu.vector_store %arg13[%swap3A_243], %broadcast_in_dim3A_242 {strides = array<i32>} : memref<1280xf32, #tpu.memory_space<vmem>>, vector<16xf32>,
    %broadcast_in_dim3A_245 = arith.constant 0.000000e+00 : f32
    %broadcast_in_dim3A_246 = vector.broadcast %broadcast_in_dim3A_245 : f32 to vector<16xf32>
    %swap3A_247 = arith.constant 192 : index
    %swap3A_248 = tpu.vector_load %arg13[%swap3A_247] {strides = array<i32>} : memref<1280xf32, #tpu.memory_space<vmem>>, vector<16xf32>,
    tpu.vector_store %arg13[%swap3A_247], %broadcast_in_dim3A_246 {strides = array<i32>} : memref<1280xf32, #tpu.memory_space<vmem>>, vector<16xf32>,
    %broadcast_in_dim3A_249 = arith.constant 0.000000e+00 : f32
    %broadcast_in_dim3A_250 = vector.broadcast %broadcast_in_dim3A_249 : f32 to vector<16xf32>
    %swap3A_251 = arith.constant 208 : index
    %swap3A_252 = tpu.vector_load %arg13[%swap3A_251] {strides = array<i32>} : memref<1280xf32, #tpu.memory_space<vmem>>, vector<16xf32>,
    tpu.vector_store %arg13[%swap3A_251], %broadcast_in_dim3A_250 {strides = array<i32>} : memref<1280xf32, #tpu.memory_space<vmem>>, vector<16xf32>,
    %broadcast_in_dim3A_253 = arith.constant 0.000000e+00 : f32
    %broadcast_in_dim3A_254 = vector.broadcast %broadcast_in_dim3A_253 : f32 to vector<16xf32>
    %swap3A_255 = arith.constant 224 : index
    %swap3A_256 = tpu.vector_load %arg13[%swap3A_255] {strides = array<i32>} : memref<1280xf32, #tpu.memory_space<vmem>>, vector<16xf32>,
    tpu.vector_store %arg13[%swap3A_255], %broadcast_in_dim3A_254 {strides = array<i32>} : memref<1280xf32, #tpu.memory_space<vmem>>, vector<16xf32>,
    %broadcast_in_dim3A_257 = arith.constant 0.000000e+00 : f32
    %broadcast_in_dim3A_258 = vector.broadcast %broadcast_in_dim3A_257 : f32 to vector<16xf32>
    %swap3A_259 = arith.constant 240 : index
    %swap3A_260 = tpu.vector_load %arg13[%swap3A_259] {strides = array<i32>} : memref<1280xf32, #tpu.memory_space<vmem>>, vector<16xf32>,
    tpu.vector_store %arg13[%swap3A_259], %broadcast_in_dim3A_258 {strides = array<i32>} : memref<1280xf32, #tpu.memory_space<vmem>>, vector<16xf32>,
    %broadcast_in_dim3A_261 = arith.constant 0.000000e+00 : f32
    %broadcast_in_dim3A_262 = vector.broadcast %broadcast_in_dim3A_261 : f32 to vector<16xf32>
    %swap3A_263 = arith.constant 256 : index
    %swap3A_264 = tpu.vector_load %arg13[%swap3A_263] {strides = array<i32>} : memref<1280xf32, #tpu.memory_space<vmem>>, vector<16xf32>,
    tpu.vector_store %arg13[%swap3A_263], %broadcast_in_dim3A_262 {strides = array<i32>} : memref<1280xf32, #tpu.memory_space<vmem>>, vector<16xf32>,
    %broadcast_in_dim3A_265 = arith.constant 0.000000e+00 : f32
    %broadcast_in_dim3A_266 = vector.broadcast %broadcast_in_dim3A_265 : f32 to vector<16xf32>
    %swap3A_267 = arith.constant 272 : index
    %swap3A_268 = tpu.vector_load %arg13[%swap3A_267] {strides = array<i32>} : memref<1280xf32, #tpu.memory_space<vmem>>, vector<16xf32>,
    tpu.vector_store %arg13[%swap3A_267], %broadcast_in_dim3A_266 {strides = array<i32>} : memref<1280xf32, #tpu.memory_space<vmem>>, vector<16xf32>,
    %broadcast_in_dim3A_269 = arith.constant 0.000000e+00 : f32
    %broadcast_in_dim3A_270 = vector.broadcast %broadcast_in_dim3A_269 : f32 to vector<16xf32>
    %swap3A_271 = arith.constant 288 : index
    %swap3A_272 = tpu.vector_load %arg13[%swap3A_271] {strides = array<i32>} : memref<1280xf32, #tpu.memory_space<vmem>>, vector<16xf32>,
    tpu.vector_store %arg13[%swap3A_271], %broadcast_in_dim3A_270 {strides = array<i32>} : memref<1280xf32, #tpu.memory_space<vmem>>, vector<16xf32>,
    %broadcast_in_dim3A_273 = arith.constant 0.000000e+00 : f32
    %broadcast_in_dim3A_274 = vector.broadcast %broadcast_in_dim3A_273 : f32 to vector<16xf32>
    %swap3A_275 = arith.constant 304 : index
    %swap3A_276 = tpu.vector_load %arg13[%swap3A_275] {strides = array<i32>} : memref<1280xf32, #tpu.memory_space<vmem>>, vector<16xf32>,
    tpu.vector_store %arg13[%swap3A_275], %broadcast_in_dim3A_274 {strides = array<i32>} : memref<1280xf32, #tpu.memory_space<vmem>>, vector<16xf32>,
    %broadcast_in_dim3A_277 = arith.constant 0.000000e+00 : f32
    %broadcast_in_dim3A_278 = vector.broadcast %broadcast_in_dim3A_277 : f32 to vector<16xf32>
    %swap3A_279 = arith.constant 320 : index
    %swap3A_280 = tpu.vector_load %arg13[%swap3A_279] {strides = array<i32>} : memref<1280xf32, #tpu.memory_space<vmem>>, vector<16xf32>,
    tpu.vector_store %arg13[%swap3A_279], %broadcast_in_dim3A_278 {strides = array<i32>} : memref<1280xf32, #tpu.memory_space<vmem>>, vector<16xf32>,
    %broadcast_in_dim3A_281 = arith.constant 0.000000e+00 : f32
    %broadcast_in_dim3A_282 = vector.broadcast %broadcast_in_dim3A_281 : f32 to vector<16xf32>
    %swap3A_283 = arith.constant 336 : index
    %swap3A_284 = tpu.vector_load %arg13[%swap3A_283] {strides = array<i32>} : memref<1280xf32, #tpu.memory_space<vmem>>, vector<16xf32>,
    tpu.vector_store %arg13[%swap3A_283], %broadcast_in_dim3A_282 {strides = array<i32>} : memref<1280xf32, #tpu.memory_space<vmem>>, vector<16xf32>,
    %broadcast_in_dim3A_285 = arith.constant 0.000000e+00 : f32
    %broadcast_in_dim3A_286 = vector.broadcast %broadcast_in_dim3A_285 : f32 to vector<16xf32>
    %swap3A_287 = arith.constant 352 : index
    %swap3A_288 = tpu.vector_load %arg13[%swap3A_287] {strides = array<i32>} : memref<1280xf32, #tpu.memory_space<vmem>>, vector<16xf32>,
    tpu.vector_store %arg13[%swap3A_287], %broadcast_in_dim3A_286 {strides = array<i32>} : memref<1280xf32, #tpu.memory_space<vmem>>, vector<16xf32>,
    %broadcast_in_dim3A_289 = arith.constant 0.000000e+00 : f32
    %broadcast_in_dim3A_290 = vector.broadcast %broadcast_in_dim3A_289 : f32 to vector<16xf32>
    %swap3A_291 = arith.constant 368 : index
    %swap3A_292 = tpu.vector_load %arg13[%swap3A_291] {strides = array<i32>} : memref<1280xf32, #tpu.memory_space<vmem>>, vector<16xf32>,
    tpu.vector_store %arg13[%swap3A_291], %broadcast_in_dim3A_290 {strides = array<i32>} : memref<1280xf32, #tpu.memory_space<vmem>>, vector<16xf32>,
    %broadcast_in_dim3A_293 = arith.constant 0.000000e+00 : f32
    %broadcast_in_dim3A_294 = vector.broadcast %broadcast_in_dim3A_293 : f32 to vector<16xf32>
    %swap3A_295 = arith.constant 384 : index
    %swap3A_296 = tpu.vector_load %arg13[%swap3A_295] {strides = array<i32>} : memref<1280xf32, #tpu.memory_space<vmem>>, vector<16xf32>,
    tpu.vector_store %arg13[%swap3A_295], %broadcast_in_dim3A_294 {strides = array<i32>} : memref<1280xf32, #tpu.memory_space<vmem>>, vector<16xf32>,
    %broadcast_in_dim3A_297 = arith.constant 0.000000e+00 : f32
    %broadcast_in_dim3A_298 = vector.broadcast %broadcast_in_dim3A_297 : f32 to vector<16xf32>
    %swap3A_299 = arith.constant 400 : index
    %swap3A_300 = tpu.vector_load %arg13[%swap3A_299] {strides = array<i32>} : memref<1280xf32, #tpu.memory_space<vmem>>, vector<16xf32>,
    tpu.vector_store %arg13[%swap3A_299], %broadcast_in_dim3A_298 {strides = array<i32>} : memref<1280xf32, #tpu.memory_space<vmem>>, vector<16xf32>,
    %broadcast_in_dim3A_301 = arith.constant 0.000000e+00 : f32
    %broadcast_in_dim3A_302 = vector.broadcast %broadcast_in_dim3A_301 : f32 to vector<16xf32>
    %swap3A_303 = arith.constant 416 : index
    %swap3A_304 = tpu.vector_load %arg13[%swap3A_303] {strides = array<i32>} : memref<1280xf32, #tpu.memory_space<vmem>>, vector<16xf32>,
    tpu.vector_store %arg13[%swap3A_303], %broadcast_in_dim3A_302 {strides = array<i32>} : memref<1280xf32, #tpu.memory_space<vmem>>, vector<16xf32>,
    %broadcast_in_dim3A_305 = arith.constant 0.000000e+00 : f32
    %broadcast_in_dim3A_306 = vector.broadcast %broadcast_in_dim3A_305 : f32 to vector<16xf32>
    %swap3A_307 = arith.constant 432 : index
    %swap3A_308 = tpu.vector_load %arg13[%swap3A_307] {strides = array<i32>} : memref<1280xf32, #tpu.memory_space<vmem>>, vector<16xf32>,
    tpu.vector_store %arg13[%swap3A_307], %broadcast_in_dim3A_306 {strides = array<i32>} : memref<1280xf32, #tpu.memory_space<vmem>>, vector<16xf32>,
    %broadcast_in_dim3A_309 = arith.constant 0.000000e+00 : f32
    %broadcast_in_dim3A_310 = vector.broadcast %broadcast_in_dim3A_309 : f32 to vector<16xf32>
    %swap3A_311 = arith.constant 448 : index
    %swap3A_312 = tpu.vector_load %arg13[%swap3A_311] {strides = array<i32>} : memref<1280xf32, #tpu.memory_space<vmem>>, vector<16xf32>,
    tpu.vector_store %arg13[%swap3A_311], %broadcast_in_dim3A_310 {strides = array<i32>} : memref<1280xf32, #tpu.memory_space<vmem>>, vector<16xf32>,
    %broadcast_in_dim3A_313 = arith.constant 0.000000e+00 : f32
    %broadcast_in_dim3A_314 = vector.broadcast %broadcast_in_dim3A_313 : f32 to vector<16xf32>
    %swap3A_315 = arith.constant 464 : index
    %swap3A_316 = tpu.vector_load %arg13[%swap3A_315] {strides = array<i32>} : memref<1280xf32, #tpu.memory_space<vmem>>, vector<16xf32>,
    tpu.vector_store %arg13[%swap3A_315], %broadcast_in_dim3A_314 {strides = array<i32>} : memref<1280xf32, #tpu.memory_space<vmem>>, vector<16xf32>,
    %broadcast_in_dim3A_317 = arith.constant 0.000000e+00 : f32
    %broadcast_in_dim3A_318 = vector.broadcast %broadcast_in_dim3A_317 : f32 to vector<16xf32>
    %swap3A_319 = arith.constant 480 : index
    %swap3A_320 = tpu.vector_load %arg13[%swap3A_319] {strides = array<i32>} : memref<1280xf32, #tpu.memory_space<vmem>>, vector<16xf32>,
    tpu.vector_store %arg13[%swap3A_319], %broadcast_in_dim3A_318 {strides = array<i32>} : memref<1280xf32, #tpu.memory_space<vmem>>, vector<16xf32>,
    %broadcast_in_dim3A_321 = arith.constant 0.000000e+00 : f32
    %broadcast_in_dim3A_322 = vector.broadcast %broadcast_in_dim3A_321 : f32 to vector<16xf32>
    %swap3A_323 = arith.constant 496 : index
    %swap3A_324 = tpu.vector_load %arg13[%swap3A_323] {strides = array<i32>} : memref<1280xf32, #tpu.memory_space<vmem>>, vector<16xf32>,
    tpu.vector_store %arg13[%swap3A_323], %broadcast_in_dim3A_322 {strides = array<i32>} : memref<1280xf32, #tpu.memory_space<vmem>>, vector<16xf32>,
    %broadcast_in_dim3A_325 = arith.constant 0.000000e+00 : f32
    %broadcast_in_dim3A_326 = vector.broadcast %broadcast_in_dim3A_325 : f32 to vector<16xf32>
    %swap3A_327 = arith.constant 512 : index
    %swap3A_328 = tpu.vector_load %arg13[%swap3A_327] {strides = array<i32>} : memref<1280xf32, #tpu.memory_space<vmem>>, vector<16xf32>,
    tpu.vector_store %arg13[%swap3A_327], %broadcast_in_dim3A_326 {strides = array<i32>} : memref<1280xf32, #tpu.memory_space<vmem>>, vector<16xf32>,
    %broadcast_in_dim3A_329 = arith.constant 0.000000e+00 : f32
    %broadcast_in_dim3A_330 = vector.broadcast %broadcast_in_dim3A_329 : f32 to vector<16xf32>
    %swap3A_331 = arith.constant 528 : index
    %swap3A_332 = tpu.vector_load %arg13[%swap3A_331] {strides = array<i32>} : memref<1280xf32, #tpu.memory_space<vmem>>, vector<16xf32>,
    tpu.vector_store %arg13[%swap3A_331], %broadcast_in_dim3A_330 {strides = array<i32>} : memref<1280xf32, #tpu.memory_space<vmem>>, vector<16xf32>,
    %broadcast_in_dim3A_333 = arith.constant 0.000000e+00 : f32
    %broadcast_in_dim3A_334 = vector.broadcast %broadcast_in_dim3A_333 : f32 to vector<16xf32>
    %swap3A_335 = arith.constant 544 : index
    %swap3A_336 = tpu.vector_load %arg13[%swap3A_335] {strides = array<i32>} : memref<1280xf32, #tpu.memory_space<vmem>>, vector<16xf32>,
    tpu.vector_store %arg13[%swap3A_335], %broadcast_in_dim3A_334 {strides = array<i32>} : memref<1280xf32, #tpu.memory_space<vmem>>, vector<16xf32>,
    %broadcast_in_dim3A_337 = arith.constant 0.000000e+00 : f32
    %broadcast_in_dim3A_338 = vector.broadcast %broadcast_in_dim3A_337 : f32 to vector<16xf32>
    %swap3A_339 = arith.constant 560 : index
    %swap3A_340 = tpu.vector_load %arg13[%swap3A_339] {strides = array<i32>} : memref<1280xf32, #tpu.memory_space<vmem>>, vector<16xf32>,
    tpu.vector_store %arg13[%swap3A_339], %broadcast_in_dim3A_338 {strides = array<i32>} : memref<1280xf32, #tpu.memory_space<vmem>>, vector<16xf32>,
    %broadcast_in_dim3A_341 = arith.constant 0.000000e+00 : f32
    %broadcast_in_dim3A_342 = vector.broadcast %broadcast_in_dim3A_341 : f32 to vector<16xf32>
    %swap3A_343 = arith.constant 576 : index
    %swap3A_344 = tpu.vector_load %arg13[%swap3A_343] {strides = array<i32>} : memref<1280xf32, #tpu.memory_space<vmem>>, vector<16xf32>,
    tpu.vector_store %arg13[%swap3A_343], %broadcast_in_dim3A_342 {strides = array<i32>} : memref<1280xf32, #tpu.memory_space<vmem>>, vector<16xf32>,
    %broadcast_in_dim3A_345 = arith.constant 0.000000e+00 : f32
    %broadcast_in_dim3A_346 = vector.broadcast %broadcast_in_dim3A_345 : f32 to vector<16xf32>
    %swap3A_347 = arith.constant 592 : index
    %swap3A_348 = tpu.vector_load %arg13[%swap3A_347] {strides = array<i32>} : memref<1280xf32, #tpu.memory_space<vmem>>, vector<16xf32>,
    tpu.vector_store %arg13[%swap3A_347], %broadcast_in_dim3A_346 {strides = array<i32>} : memref<1280xf32, #tpu.memory_space<vmem>>, vector<16xf32>,
    %broadcast_in_dim3A_349 = arith.constant 0.000000e+00 : f32
    %broadcast_in_dim3A_350 = vector.broadcast %broadcast_in_dim3A_349 : f32 to vector<16xf32>
    %swap3A_351 = arith.constant 608 : index
    %swap3A_352 = tpu.vector_load %arg13[%swap3A_351] {strides = array<i32>} : memref<1280xf32, #tpu.memory_space<vmem>>, vector<16xf32>,
    tpu.vector_store %arg13[%swap3A_351], %broadcast_in_dim3A_350 {strides = array<i32>} : memref<1280xf32, #tpu.memory_space<vmem>>, vector<16xf32>,
    %broadcast_in_dim3A_353 = arith.constant 0.000000e+00 : f32
    %broadcast_in_dim3A_354 = vector.broadcast %broadcast_in_dim3A_353 : f32 to vector<16xf32>
    %swap3A_355 = arith.constant 624 : index
    %swap3A_356 = tpu.vector_load %arg13[%swap3A_355] {strides = array<i32>} : memref<1280xf32, #tpu.memory_space<vmem>>, vector<16xf32>,
    tpu.vector_store %arg13[%swap3A_355], %broadcast_in_dim3A_354 {strides = array<i32>} : memref<1280xf32, #tpu.memory_space<vmem>>, vector<16xf32>,
    %broadcast_in_dim3A_357 = arith.constant 0.000000e+00 : f32
    %broadcast_in_dim3A_358 = vector.broadcast %broadcast_in_dim3A_357 : f32 to vector<16xf32>
    %swap3A_359 = arith.constant 640 : index
    %swap3A_360 = tpu.vector_load %arg13[%swap3A_359] {strides = array<i32>} : memref<1280xf32, #tpu.memory_space<vmem>>, vector<16xf32>,
    tpu.vector_store %arg13[%swap3A_359], %broadcast_in_dim3A_358 {strides = array<i32>} : memref<1280xf32, #tpu.memory_space<vmem>>, vector<16xf32>,
    %broadcast_in_dim3A_361 = arith.constant 0.000000e+00 : f32
    %broadcast_in_dim3A_362 = vector.broadcast %broadcast_in_dim3A_361 : f32 to vector<16xf32>
    %swap3A_363 = arith.constant 656 : index
    %swap3A_364 = tpu.vector_load %arg13[%swap3A_363] {strides = array<i32>} : memref<1280xf32, #tpu.memory_space<vmem>>, vector<16xf32>,
    tpu.vector_store %arg13[%swap3A_363], %broadcast_in_dim3A_362 {strides = array<i32>} : memref<1280xf32, #tpu.memory_space<vmem>>, vector<16xf32>,
    %broadcast_in_dim3A_365 = arith.constant 0.000000e+00 : f32
    %broadcast_in_dim3A_366 = vector.broadcast %broadcast_in_dim3A_365 : f32 to vector<16xf32>
    %swap3A_367 = arith.constant 672 : index
    %swap3A_368 = tpu.vector_load %arg13[%swap3A_367] {strides = array<i32>} : memref<1280xf32, #tpu.memory_space<vmem>>, vector<16xf32>,
    tpu.vector_store %arg13[%swap3A_367], %broadcast_in_dim3A_366 {strides = array<i32>} : memref<1280xf32, #tpu.memory_space<vmem>>, vector<16xf32>,
    %broadcast_in_dim3A_369 = arith.constant 0.000000e+00 : f32
    %broadcast_in_dim3A_370 = vector.broadcast %broadcast_in_dim3A_369 : f32 to vector<16xf32>
    %swap3A_371 = arith.constant 688 : index
    %swap3A_372 = tpu.vector_load %arg13[%swap3A_371] {strides = array<i32>} : memref<1280xf32, #tpu.memory_space<vmem>>, vector<16xf32>,
    tpu.vector_store %arg13[%swap3A_371], %broadcast_in_dim3A_370 {strides = array<i32>} : memref<1280xf32, #tpu.memory_space<vmem>>, vector<16xf32>,
    %broadcast_in_dim3A_373 = arith.constant 0.000000e+00 : f32
    %broadcast_in_dim3A_374 = vector.broadcast %broadcast_in_dim3A_373 : f32 to vector<16xf32>
    %swap3A_375 = arith.constant 704 : index
    %swap3A_376 = tpu.vector_load %arg13[%swap3A_375] {strides = array<i32>} : memref<1280xf32, #tpu.memory_space<vmem>>, vector<16xf32>,
    tpu.vector_store %arg13[%swap3A_375], %broadcast_in_dim3A_374 {strides = array<i32>} : memref<1280xf32, #tpu.memory_space<vmem>>, vector<16xf32>,
    %broadcast_in_dim3A_377 = arith.constant 0.000000e+00 : f32
    %broadcast_in_dim3A_378 = vector.broadcast %broadcast_in_dim3A_377 : f32 to vector<16xf32>
    %swap3A_379 = arith.constant 720 : index
    %swap3A_380 = tpu.vector_load %arg13[%swap3A_379] {strides = array<i32>} : memref<1280xf32, #tpu.memory_space<vmem>>, vector<16xf32>,
    tpu.vector_store %arg13[%swap3A_379], %broadcast_in_dim3A_378 {strides = array<i32>} : memref<1280xf32, #tpu.memory_space<vmem>>, vector<16xf32>,
    %broadcast_in_dim3A_381 = arith.constant 0.000000e+00 : f32
    %broadcast_in_dim3A_382 = vector.broadcast %broadcast_in_dim3A_381 : f32 to vector<16xf32>
    %swap3A_383 = arith.constant 736 : index
    %swap3A_384 = tpu.vector_load %arg13[%swap3A_383] {strides = array<i32>} : memref<1280xf32, #tpu.memory_space<vmem>>, vector<16xf32>,
    tpu.vector_store %arg13[%swap3A_383], %broadcast_in_dim3A_382 {strides = array<i32>} : memref<1280xf32, #tpu.memory_space<vmem>>, vector<16xf32>,
    %broadcast_in_dim3A_385 = arith.constant 0.000000e+00 : f32
    %broadcast_in_dim3A_386 = vector.broadcast %broadcast_in_dim3A_385 : f32 to vector<16xf32>
    %swap3A_387 = arith.constant 752 : index
    %swap3A_388 = tpu.vector_load %arg13[%swap3A_387] {strides = array<i32>} : memref<1280xf32, #tpu.memory_space<vmem>>, vector<16xf32>,
    tpu.vector_store %arg13[%swap3A_387], %broadcast_in_dim3A_386 {strides = array<i32>} : memref<1280xf32, #tpu.memory_space<vmem>>, vector<16xf32>,
    %broadcast_in_dim3A_389 = arith.constant 0.000000e+00 : f32
    %broadcast_in_dim3A_390 = vector.broadcast %broadcast_in_dim3A_389 : f32 to vector<16xf32>
    %swap3A_391 = arith.constant 768 : index
    %swap3A_392 = tpu.vector_load %arg13[%swap3A_391] {strides = array<i32>} : memref<1280xf32, #tpu.memory_space<vmem>>, vector<16xf32>,
    tpu.vector_store %arg13[%swap3A_391], %broadcast_in_dim3A_390 {strides = array<i32>} : memref<1280xf32, #tpu.memory_space<vmem>>, vector<16xf32>,
    %broadcast_in_dim3A_393 = arith.constant 0.000000e+00 : f32
    %broadcast_in_dim3A_394 = vector.broadcast %broadcast_in_dim3A_393 : f32 to vector<16xf32>
    %swap3A_395 = arith.constant 784 : index
    %swap3A_396 = tpu.vector_load %arg13[%swap3A_395] {strides = array<i32>} : memref<1280xf32, #tpu.memory_space<vmem>>, vector<16xf32>,
    tpu.vector_store %arg13[%swap3A_395], %broadcast_in_dim3A_394 {strides = array<i32>} : memref<1280xf32, #tpu.memory_space<vmem>>, vector<16xf32>,
    %broadcast_in_dim3A_397 = arith.constant 0.000000e+00 : f32
    %broadcast_in_dim3A_398 = vector.broadcast %broadcast_in_dim3A_397 : f32 to vector<16xf32>
    %swap3A_399 = arith.constant 800 : index
    %swap3A_400 = tpu.vector_load %arg13[%swap3A_399] {strides = array<i32>} : memref<1280xf32, #tpu.memory_space<vmem>>, vector<16xf32>,
    tpu.vector_store %arg13[%swap3A_399], %broadcast_in_dim3A_398 {strides = array<i32>} : memref<1280xf32, #tpu.memory_space<vmem>>, vector<16xf32>,
    %broadcast_in_dim3A_401 = arith.constant 0.000000e+00 : f32
    %broadcast_in_dim3A_402 = vector.broadcast %broadcast_in_dim3A_401 : f32 to vector<16xf32>
    %swap3A_403 = arith.constant 816 : index
    %swap3A_404 = tpu.vector_load %arg13[%swap3A_403] {strides = array<i32>} : memref<1280xf32, #tpu.memory_space<vmem>>, vector<16xf32>,
    tpu.vector_store %arg13[%swap3A_403], %broadcast_in_dim3A_402 {strides = array<i32>} : memref<1280xf32, #tpu.memory_space<vmem>>, vector<16xf32>,
    %broadcast_in_dim3A_405 = arith.constant 0.000000e+00 : f32
    %broadcast_in_dim3A_406 = vector.broadcast %broadcast_in_dim3A_405 : f32 to vector<16xf32>
    %swap3A_407 = arith.constant 832 : index
    %swap3A_408 = tpu.vector_load %arg13[%swap3A_407] {strides = array<i32>} : memref<1280xf32, #tpu.memory_space<vmem>>, vector<16xf32>,
    tpu.vector_store %arg13[%swap3A_407], %broadcast_in_dim3A_406 {strides = array<i32>} : memref<1280xf32, #tpu.memory_space<vmem>>, vector<16xf32>,
    %broadcast_in_dim3A_409 = arith.constant 0.000000e+00 : f32
    %broadcast_in_dim3A_410 = vector.broadcast %broadcast_in_dim3A_409 : f32 to vector<16xf32>
    %swap3A_411 = arith.constant 848 : index
    %swap3A_412 = tpu.vector_load %arg13[%swap3A_411] {strides = array<i32>} : memref<1280xf32, #tpu.memory_space<vmem>>, vector<16xf32>,
    tpu.vector_store %arg13[%swap3A_411], %broadcast_in_dim3A_410 {strides = array<i32>} : memref<1280xf32, #tpu.memory_space<vmem>>, vector<16xf32>,
    %broadcast_in_dim3A_413 = arith.constant 0.000000e+00 : f32
    %broadcast_in_dim3A_414 = vector.broadcast %broadcast_in_dim3A_413 : f32 to vector<16xf32>
    %swap3A_415 = arith.constant 864 : index
    %swap3A_416 = tpu.vector_load %arg13[%swap3A_415] {strides = array<i32>} : memref<1280xf32, #tpu.memory_space<vmem>>, vector<16xf32>,
    tpu.vector_store %arg13[%swap3A_415], %broadcast_in_dim3A_414 {strides = array<i32>} : memref<1280xf32, #tpu.memory_space<vmem>>, vector<16xf32>,
    %broadcast_in_dim3A_417 = arith.constant 0.000000e+00 : f32
    %broadcast_in_dim3A_418 = vector.broadcast %broadcast_in_dim3A_417 : f32 to vector<16xf32>
    %swap3A_419 = arith.constant 880 : index
    %swap3A_420 = tpu.vector_load %arg13[%swap3A_419] {strides = array<i32>} : memref<1280xf32, #tpu.memory_space<vmem>>, vector<16xf32>,
    tpu.vector_store %arg13[%swap3A_419], %broadcast_in_dim3A_418 {strides = array<i32>} : memref<1280xf32, #tpu.memory_space<vmem>>, vector<16xf32>,
    %broadcast_in_dim3A_421 = arith.constant 0.000000e+00 : f32
    %broadcast_in_dim3A_422 = vector.broadcast %broadcast_in_dim3A_421 : f32 to vector<16xf32>
    %swap3A_423 = arith.constant 896 : index
    %swap3A_424 = tpu.vector_load %arg13[%swap3A_423] {strides = array<i32>} : memref<1280xf32, #tpu.memory_space<vmem>>, vector<16xf32>,
    tpu.vector_store %arg13[%swap3A_423], %broadcast_in_dim3A_422 {strides = array<i32>} : memref<1280xf32, #tpu.memory_space<vmem>>, vector<16xf32>,
    %broadcast_in_dim3A_425 = arith.constant 0.000000e+00 : f32
    %broadcast_in_dim3A_426 = vector.broadcast %broadcast_in_dim3A_425 : f32 to vector<16xf32>
    %swap3A_427 = arith.constant 912 : index
    %swap3A_428 = tpu.vector_load %arg13[%swap3A_427] {strides = array<i32>} : memref<1280xf32, #tpu.memory_space<vmem>>, vector<16xf32>,
    tpu.vector_store %arg13[%swap3A_427], %broadcast_in_dim3A_426 {strides = array<i32>} : memref<1280xf32, #tpu.memory_space<vmem>>, vector<16xf32>,
    %broadcast_in_dim3A_429 = arith.constant 0.000000e+00 : f32
    %broadcast_in_dim3A_430 = vector.broadcast %broadcast_in_dim3A_429 : f32 to vector<16xf32>
    %swap3A_431 = arith.constant 928 : index
    %swap3A_432 = tpu.vector_load %arg13[%swap3A_431] {strides = array<i32>} : memref<1280xf32, #tpu.memory_space<vmem>>, vector<16xf32>,
    tpu.vector_store %arg13[%swap3A_431], %broadcast_in_dim3A_430 {strides = array<i32>} : memref<1280xf32, #tpu.memory_space<vmem>>, vector<16xf32>,
    %broadcast_in_dim3A_433 = arith.constant 0.000000e+00 : f32
    %broadcast_in_dim3A_434 = vector.broadcast %broadcast_in_dim3A_433 : f32 to vector<16xf32>
    %swap3A_435 = arith.constant 944 : index
    %swap3A_436 = tpu.vector_load %arg13[%swap3A_435] {strides = array<i32>} : memref<1280xf32, #tpu.memory_space<vmem>>, vector<16xf32>,
    tpu.vector_store %arg13[%swap3A_435], %broadcast_in_dim3A_434 {strides = array<i32>} : memref<1280xf32, #tpu.memory_space<vmem>>, vector<16xf32>,
    %broadcast_in_dim3A_437 = arith.constant 0.000000e+00 : f32
    %broadcast_in_dim3A_438 = vector.broadcast %broadcast_in_dim3A_437 : f32 to vector<16xf32>
    %swap3A_439 = arith.constant 960 : index
    %swap3A_440 = tpu.vector_load %arg13[%swap3A_439] {strides = array<i32>} : memref<1280xf32, #tpu.memory_space<vmem>>, vector<16xf32>,
    tpu.vector_store %arg13[%swap3A_439], %broadcast_in_dim3A_438 {strides = array<i32>} : memref<1280xf32, #tpu.memory_space<vmem>>, vector<16xf32>,
    %broadcast_in_dim3A_441 = arith.constant 0.000000e+00 : f32
    %broadcast_in_dim3A_442 = vector.broadcast %broadcast_in_dim3A_441 : f32 to vector<16xf32>
    %swap3A_443 = arith.constant 976 : index
    %swap3A_444 = tpu.vector_load %arg13[%swap3A_443] {strides = array<i32>} : memref<1280xf32, #tpu.memory_space<vmem>>, vector<16xf32>,
    tpu.vector_store %arg13[%swap3A_443], %broadcast_in_dim3A_442 {strides = array<i32>} : memref<1280xf32, #tpu.memory_space<vmem>>, vector<16xf32>,
    %broadcast_in_dim3A_445 = arith.constant 0.000000e+00 : f32
    %broadcast_in_dim3A_446 = vector.broadcast %broadcast_in_dim3A_445 : f32 to vector<16xf32>
    %swap3A_447 = arith.constant 992 : index
    %swap3A_448 = tpu.vector_load %arg13[%swap3A_447] {strides = array<i32>} : memref<1280xf32, #tpu.memory_space<vmem>>, vector<16xf32>,
    tpu.vector_store %arg13[%swap3A_447], %broadcast_in_dim3A_446 {strides = array<i32>} : memref<1280xf32, #tpu.memory_space<vmem>>, vector<16xf32>,
    %broadcast_in_dim3A_449 = arith.constant 0.000000e+00 : f32
    %broadcast_in_dim3A_450 = vector.broadcast %broadcast_in_dim3A_449 : f32 to vector<16xf32>
    %swap3A_451 = arith.constant 1008 : index
    %swap3A_452 = tpu.vector_load %arg13[%swap3A_451] {strides = array<i32>} : memref<1280xf32, #tpu.memory_space<vmem>>, vector<16xf32>,
    tpu.vector_store %arg13[%swap3A_451], %broadcast_in_dim3A_450 {strides = array<i32>} : memref<1280xf32, #tpu.memory_space<vmem>>, vector<16xf32>,
    %broadcast_in_dim3A_453 = arith.constant 0.000000e+00 : f32
    %broadcast_in_dim3A_454 = vector.broadcast %broadcast_in_dim3A_453 : f32 to vector<16xf32>
    %swap3A_455 = arith.constant 1024 : index
    %swap3A_456 = tpu.vector_load %arg13[%swap3A_455] {strides = array<i32>} : memref<1280xf32, #tpu.memory_space<vmem>>, vector<16xf32>,
    tpu.vector_store %arg13[%swap3A_455], %broadcast_in_dim3A_454 {strides = array<i32>} : memref<1280xf32, #tpu.memory_space<vmem>>, vector<16xf32>,
    %broadcast_in_dim3A_457 = arith.constant 0.000000e+00 : f32
    %broadcast_in_dim3A_458 = vector.broadcast %broadcast_in_dim3A_457 : f32 to vector<16xf32>
    %swap3A_459 = arith.constant 1040 : index
    %swap3A_460 = tpu.vector_load %arg13[%swap3A_459] {strides = array<i32>} : memref<1280xf32, #tpu.memory_space<vmem>>, vector<16xf32>,
    tpu.vector_store %arg13[%swap3A_459], %broadcast_in_dim3A_458 {strides = array<i32>} : memref<1280xf32, #tpu.memory_space<vmem>>, vector<16xf32>,
    %broadcast_in_dim3A_461 = arith.constant 0.000000e+00 : f32
    %broadcast_in_dim3A_462 = vector.broadcast %broadcast_in_dim3A_461 : f32 to vector<16xf32>
    %swap3A_463 = arith.constant 1056 : index
    %swap3A_464 = tpu.vector_load %arg13[%swap3A_463] {strides = array<i32>} : memref<1280xf32, #tpu.memory_space<vmem>>, vector<16xf32>,
    tpu.vector_store %arg13[%swap3A_463], %broadcast_in_dim3A_462 {strides = array<i32>} : memref<1280xf32, #tpu.memory_space<vmem>>, vector<16xf32>,
    %broadcast_in_dim3A_465 = arith.constant 0.000000e+00 : f32
    %broadcast_in_dim3A_466 = vector.broadcast %broadcast_in_dim3A_465 : f32 to vector<16xf32>
    %swap3A_467 = arith.constant 1072 : index
    %swap3A_468 = tpu.vector_load %arg13[%swap3A_467] {strides = array<i32>} : memref<1280xf32, #tpu.memory_space<vmem>>, vector<16xf32>,
    tpu.vector_store %arg13[%swap3A_467], %broadcast_in_dim3A_466 {strides = array<i32>} : memref<1280xf32, #tpu.memory_space<vmem>>, vector<16xf32>,
    %broadcast_in_dim3A_469 = arith.constant 0.000000e+00 : f32
    %broadcast_in_dim3A_470 = vector.broadcast %broadcast_in_dim3A_469 : f32 to vector<16xf32>
    %swap3A_471 = arith.constant 1088 : index
    %swap3A_472 = tpu.vector_load %arg13[%swap3A_471] {strides = array<i32>} : memref<1280xf32, #tpu.memory_space<vmem>>, vector<16xf32>,
    tpu.vector_store %arg13[%swap3A_471], %broadcast_in_dim3A_470 {strides = array<i32>} : memref<1280xf32, #tpu.memory_space<vmem>>, vector<16xf32>,
    %broadcast_in_dim3A_473 = arith.constant 0.000000e+00 : f32
    %broadcast_in_dim3A_474 = vector.broadcast %broadcast_in_dim3A_473 : f32 to vector<16xf32>
    %swap3A_475 = arith.constant 1104 : index
    %swap3A_476 = tpu.vector_load %arg13[%swap3A_475] {strides = array<i32>} : memref<1280xf32, #tpu.memory_space<vmem>>, vector<16xf32>,
    tpu.vector_store %arg13[%swap3A_475], %broadcast_in_dim3A_474 {strides = array<i32>} : memref<1280xf32, #tpu.memory_space<vmem>>, vector<16xf32>,
    %broadcast_in_dim3A_477 = arith.constant 0.000000e+00 : f32
    %broadcast_in_dim3A_478 = vector.broadcast %broadcast_in_dim3A_477 : f32 to vector<16xf32>
    %swap3A_479 = arith.constant 1120 : index
    %swap3A_480 = tpu.vector_load %arg13[%swap3A_479] {strides = array<i32>} : memref<1280xf32, #tpu.memory_space<vmem>>, vector<16xf32>,
    tpu.vector_store %arg13[%swap3A_479], %broadcast_in_dim3A_478 {strides = array<i32>} : memref<1280xf32, #tpu.memory_space<vmem>>, vector<16xf32>,
    %broadcast_in_dim3A_481 = arith.constant 0.000000e+00 : f32
    %broadcast_in_dim3A_482 = vector.broadcast %broadcast_in_dim3A_481 : f32 to vector<16xf32>
    %swap3A_483 = arith.constant 1136 : index
    %swap3A_484 = tpu.vector_load %arg13[%swap3A_483] {strides = array<i32>} : memref<1280xf32, #tpu.memory_space<vmem>>, vector<16xf32>,
    tpu.vector_store %arg13[%swap3A_483], %broadcast_in_dim3A_482 {strides = array<i32>} : memref<1280xf32, #tpu.memory_space<vmem>>, vector<16xf32>,
    %broadcast_in_dim3A_485 = arith.constant 0.000000e+00 : f32
    %broadcast_in_dim3A_486 = vector.broadcast %broadcast_in_dim3A_485 : f32 to vector<16xf32>
    %swap3A_487 = arith.constant 1152 : index
    %swap3A_488 = tpu.vector_load %arg13[%swap3A_487] {strides = array<i32>} : memref<1280xf32, #tpu.memory_space<vmem>>, vector<16xf32>,
    tpu.vector_store %arg13[%swap3A_487], %broadcast_in_dim3A_486 {strides = array<i32>} : memref<1280xf32, #tpu.memory_space<vmem>>, vector<16xf32>,
    %broadcast_in_dim3A_489 = arith.constant 0.000000e+00 : f32
    %broadcast_in_dim3A_490 = vector.broadcast %broadcast_in_dim3A_489 : f32 to vector<16xf32>
    %swap3A_491 = arith.constant 1168 : index
    %swap3A_492 = tpu.vector_load %arg13[%swap3A_491] {strides = array<i32>} : memref<1280xf32, #tpu.memory_space<vmem>>, vector<16xf32>,
    tpu.vector_store %arg13[%swap3A_491], %broadcast_in_dim3A_490 {strides = array<i32>} : memref<1280xf32, #tpu.memory_space<vmem>>, vector<16xf32>,
    %broadcast_in_dim3A_493 = arith.constant 0.000000e+00 : f32
    %broadcast_in_dim3A_494 = vector.broadcast %broadcast_in_dim3A_493 : f32 to vector<16xf32>
    %swap3A_495 = arith.constant 1184 : index
    %swap3A_496 = tpu.vector_load %arg13[%swap3A_495] {strides = array<i32>} : memref<1280xf32, #tpu.memory_space<vmem>>, vector<16xf32>,
    tpu.vector_store %arg13[%swap3A_495], %broadcast_in_dim3A_494 {strides = array<i32>} : memref<1280xf32, #tpu.memory_space<vmem>>, vector<16xf32>,
    %broadcast_in_dim3A_497 = arith.constant 0.000000e+00 : f32
    %broadcast_in_dim3A_498 = vector.broadcast %broadcast_in_dim3A_497 : f32 to vector<16xf32>
    %swap3A_499 = arith.constant 1200 : index
    %swap3A_500 = tpu.vector_load %arg13[%swap3A_499] {strides = array<i32>} : memref<1280xf32, #tpu.memory_space<vmem>>, vector<16xf32>,
    tpu.vector_store %arg13[%swap3A_499], %broadcast_in_dim3A_498 {strides = array<i32>} : memref<1280xf32, #tpu.memory_space<vmem>>, vector<16xf32>,
    %broadcast_in_dim3A_501 = arith.constant 0.000000e+00 : f32
    %broadcast_in_dim3A_502 = vector.broadcast %broadcast_in_dim3A_501 : f32 to vector<16xf32>
    %swap3A_503 = arith.constant 1216 : index
    %swap3A_504 = tpu.vector_load %arg13[%swap3A_503] {strides = array<i32>} : memref<1280xf32, #tpu.memory_space<vmem>>, vector<16xf32>,
    tpu.vector_store %arg13[%swap3A_503], %broadcast_in_dim3A_502 {strides = array<i32>} : memref<1280xf32, #tpu.memory_space<vmem>>, vector<16xf32>,
    %broadcast_in_dim3A_505 = arith.constant 0.000000e+00 : f32
    %broadcast_in_dim3A_506 = vector.broadcast %broadcast_in_dim3A_505 : f32 to vector<16xf32>
    %swap3A_507 = arith.constant 1232 : index
    %swap3A_508 = tpu.vector_load %arg13[%swap3A_507] {strides = array<i32>} : memref<1280xf32, #tpu.memory_space<vmem>>, vector<16xf32>,
    tpu.vector_store %arg13[%swap3A_507], %broadcast_in_dim3A_506 {strides = array<i32>} : memref<1280xf32, #tpu.memory_space<vmem>>, vector<16xf32>,
    %broadcast_in_dim3A_509 = arith.constant 0.000000e+00 : f32
    %broadcast_in_dim3A_510 = vector.broadcast %broadcast_in_dim3A_509 : f32 to vector<16xf32>
    %swap3A_511 = arith.constant 1248 : index
    %swap3A_512 = tpu.vector_load %arg13[%swap3A_511] {strides = array<i32>} : memref<1280xf32, #tpu.memory_space<vmem>>, vector<16xf32>,
    tpu.vector_store %arg13[%swap3A_511], %broadcast_in_dim3A_510 {strides = array<i32>} : memref<1280xf32, #tpu.memory_space<vmem>>, vector<16xf32>,
    %broadcast_in_dim3A_513 = arith.constant 0.000000e+00 : f32
    %broadcast_in_dim3A_514 = vector.broadcast %broadcast_in_dim3A_513 : f32 to vector<16xf32>
    %swap3A_515 = arith.constant 1264 : index
    %swap3A_516 = tpu.vector_load %arg13[%swap3A_515] {strides = array<i32>} : memref<1280xf32, #tpu.memory_space<vmem>>, vector<16xf32>,
    tpu.vector_store %arg13[%swap3A_515], %broadcast_in_dim3A_514 {strides = array<i32>} : memref<1280xf32, #tpu.memory_space<vmem>>, vector<16xf32>,
    %mul3A_517 = arith.constant 31360 : i32
    %mul3A_518 = arith.muli %arg1, %mul3A_517 : i32
    %min3A = arith.constant 468736 : i32
    %min3A_519 = arith.minsi %mul3A_518, %min3A : i32
    %mul3A_520 = arith.constant 32 : i32
    %mul3A_521 = arith.muli %arg0, %mul3A_520 : i32
    %mul3A_522 = arith.constant 0 : i32
    %mul3A_523 = arith.constant 499968 : i32
    %mul3A_524 = arith.muli %mul3A_522, %mul3A_523 : i32
    %add3A_525 = arith.addi %mul3A_524, %min3A_519 : i32
    %multiple_of3A = tpu.assume_multiple %add3A_525, 128 : i32
    %dma_start3A = tpu.memref_slice %arg14[%min3A_519] : memref<500096xf32, #tpu.memory_space<vmem_shared>> -> memref<31360xf32, #tpu.memory_space<vmem_shared>>
    %dma_start3A_526 = arith.constant 0 : i32
    %dma_start3A_527 = tpu.memref_slice %arg4[%mul3A_521, %dma_start3A_526] : memref<64x1000000xf32, #tpu.memory_space<hbm>> -> memref<1x1000000xf32, #tpu.memory_space<hbm>>
    %dma_start3A_528 = tpu.memref_squeeze %dma_start3A_527 : memref<1x1000000xf32, #tpu.memory_space<hbm>> -> memref<1000000xf32, #tpu.memory_space<hbm>>
    %dma_start3A_529 = tpu.memref_slice %dma_start3A_528[%multiple_of3A] : memref<1000000xf32, #tpu.memory_space<hbm>> -> memref<31360xf32, #tpu.memory_space<hbm>>
    tpu.enqueue_dma source(%dma_start3A_529 : memref<31360xf32, #tpu.memory_space<hbm>>) target(%dma_start3A : memref<31360xf32, #tpu.memory_space<vmem_shared>>) target_semaphore(%arg16 : memref<!tpu.dma_semaphore, #tpu.memory_space<semaphore_mem>>)
    %scan3A_530 = arith.constant 0 : i32
    %scan3A_531 = arith.constant 0 : i32
    %scan3A_532 = arith.constant 32 : i32
    %scan3A_533 = arith.addi %scan3A_531, %scan3A_532 : i32
    %scan3A_534 = arith.constant 1 : i32
    scf.for %scan3A_539 = %scan3A_531 to %scan3A_533 step %scan3A_534  : i32 {
      %mul3A_540 = arith.constant 32 : i32
      %mul3A_541 = arith.muli %arg0, %mul3A_540 : i32
      %add3A_542 = arith.addi %mul3A_541, %scan3A_539 : i32
      %mul3A_543 = arith.constant 1 : i32
      %mul3A_544 = arith.constant 499968 : i32
      %mul3A_545 = arith.muli %mul3A_543, %mul3A_544 : i32
      %add3A_546 = arith.addi %mul3A_545, %min3A_519 : i32
      %multiple_of3A_547 = tpu.assume_multiple %add3A_546, 128 : i32
      %dma_start3A_548 = tpu.memref_slice %arg15[%min3A_519] : memref<500096xf32, #tpu.memory_space<vmem_shared>> -> memref<31360xf32, #tpu.memory_space<vmem_shared>>
      %dma_start3A_549 = arith.constant 0 : i32
      %dma_start3A_550 = tpu.memref_slice %arg4[%add3A_542, %dma_start3A_549] : memref<64x1000000xf32, #tpu.memory_space<hbm>> -> memref<1x1000000xf32, #tpu.memory_space<hbm>>
      %dma_start3A_551 = tpu.memref_squeeze %dma_start3A_550 : memref<1x1000000xf32, #tpu.memory_space<hbm>> -> memref<1000000xf32, #tpu.memory_space<hbm>>
      %dma_start3A_552 = tpu.memref_slice %dma_start3A_551[%multiple_of3A_547] : memref<1000000xf32, #tpu.memory_space<hbm>> -> memref<31360xf32, #tpu.memory_space<hbm>>
      tpu.enqueue_dma source(%dma_start3A_552 : memref<31360xf32, #tpu.memory_space<hbm>>) target(%dma_start3A_548 : memref<31360xf32, #tpu.memory_space<vmem_shared>>) target_semaphore(%arg16 : memref<!tpu.dma_semaphore, #tpu.memory_space<semaphore_mem>>)
      %mul3A_553 = arith.constant 0 : i32
      %mul3A_554 = arith.constant 499968 : i32
      %mul3A_555 = arith.muli %mul3A_553, %mul3A_554 : i32
      %add3A_556 = arith.addi %mul3A_555, %min3A_519 : i32
      %multiple_of3A_557 = tpu.assume_multiple %add3A_556, 128 : i32
      %dma_wait3A = tpu.memref_slice %arg14[%min3A_519] : memref<500096xf32, #tpu.memory_space<vmem_shared>> -> memref<31360xf32, #tpu.memory_space<vmem_shared>>
      %dma_wait3A_558 = arith.constant 0 : i32
      %dma_wait3A_559 = tpu.memref_slice %arg4[%add3A_542, %dma_wait3A_558] : memref<64x1000000xf32, #tpu.memory_space<hbm>> -> memref<1x1000000xf32, #tpu.memory_space<hbm>>
      %dma_wait3A_560 = tpu.memref_squeeze %dma_wait3A_559 : memref<1x1000000xf32, #tpu.memory_space<hbm>> -> memref<1000000xf32, #tpu.memory_space<hbm>>
      %dma_wait3A_561 = tpu.memref_slice %dma_wait3A_560[%multiple_of3A_557] : memref<1000000xf32, #tpu.memory_space<hbm>> -> memref<31360xf32, #tpu.memory_space<hbm>>
      tpu.wait_dma2 semaphore(%arg16 : memref<!tpu.dma_semaphore, #tpu.memory_space<semaphore_mem>>) src(%dma_wait3A_561 : memref<31360xf32, #tpu.memory_space<hbm>>) dst(%dma_wait3A : memref<31360xf32, #tpu.memory_space<vmem_shared>>)
      %mul3A_562 = arith.constant 0 : i32
      %mul3A_563 = arith.constant 499968 : i32
      %mul3A_564 = arith.muli %mul3A_562, %mul3A_563 : i32
      %add3A_565 = arith.addi %mul3A_564, %min3A_519 : i32
      %multiple_of3A_566 = tpu.assume_multiple %add3A_565, 128 : i32
      %dma_start3A_567 = tpu.memref_slice %arg14[%min3A_519] : memref<500096xf32, #tpu.memory_space<vmem_shared>> -> memref<31360xf32, #tpu.memory_space<vmem_shared>>
      %dma_start3A_568 = arith.constant 0 : i32
      %dma_start3A_569 = tpu.memref_slice %arg5[%add3A_542, %dma_start3A_568] : memref<64x1000000xf32, #tpu.memory_space<hbm>> -> memref<1x1000000xf32, #tpu.memory_space<hbm>>
      %dma_start3A_570 = tpu.memref_squeeze %dma_start3A_569 : memref<1x1000000xf32, #tpu.memory_space<hbm>> -> memref<1000000xf32, #tpu.memory_space<hbm>>
      %dma_start3A_571 = tpu.memref_slice %dma_start3A_570[%multiple_of3A_566] : memref<1000000xf32, #tpu.memory_space<hbm>> -> memref<31360xf32, #tpu.memory_space<hbm>>
      tpu.enqueue_dma source(%dma_start3A_571 : memref<31360xf32, #tpu.memory_space<hbm>>) target(%dma_start3A_567 : memref<31360xf32, #tpu.memory_space<vmem_shared>>) target_semaphore(%arg16 : memref<!tpu.dma_semaphore, #tpu.memory_space<semaphore_mem>>)
      %mul3A_572 = arith.constant 1 : i32
      %mul3A_573 = arith.constant 499968 : i32
      %mul3A_574 = arith.muli %mul3A_572, %mul3A_573 : i32
      %add3A_575 = arith.addi %mul3A_574, %min3A_519 : i32
      %multiple_of3A_576 = tpu.assume_multiple %add3A_575, 128 : i32
      %dma_wait3A_577 = tpu.memref_slice %arg15[%min3A_519] : memref<500096xf32, #tpu.memory_space<vmem_shared>> -> memref<31360xf32, #tpu.memory_space<vmem_shared>>
      %dma_wait3A_578 = arith.constant 0 : i32
      %dma_wait3A_579 = tpu.memref_slice %arg4[%add3A_542, %dma_wait3A_578] : memref<64x1000000xf32, #tpu.memory_space<hbm>> -> memref<1x1000000xf32, #tpu.memory_space<hbm>>
      %dma_wait3A_580 = tpu.memref_squeeze %dma_wait3A_579 : memref<1x1000000xf32, #tpu.memory_space<hbm>> -> memref<1000000xf32, #tpu.memory_space<hbm>>
      %dma_wait3A_581 = tpu.memref_slice %dma_wait3A_580[%multiple_of3A_576] : memref<1000000xf32, #tpu.memory_space<hbm>> -> memref<31360xf32, #tpu.memory_space<hbm>>
      tpu.wait_dma2 semaphore(%arg16 : memref<!tpu.dma_semaphore, #tpu.memory_space<semaphore_mem>>) src(%dma_wait3A_581 : memref<31360xf32, #tpu.memory_space<hbm>>) dst(%dma_wait3A_577 : memref<31360xf32, #tpu.memory_space<vmem_shared>>)
      %mul3A_582 = arith.constant 1 : i32
      %mul3A_583 = arith.constant 499968 : i32
      %mul3A_584 = arith.muli %mul3A_582, %mul3A_583 : i32
      %add3A_585 = arith.addi %mul3A_584, %min3A_519 : i32
      %multiple_of3A_586 = tpu.assume_multiple %add3A_585, 128 : i32
      %dma_start3A_587 = tpu.memref_slice %arg15[%min3A_519] : memref<500096xf32, #tpu.memory_space<vmem_shared>> -> memref<31360xf32, #tpu.memory_space<vmem_shared>>
      %dma_start3A_588 = arith.constant 0 : i32
      %dma_start3A_589 = tpu.memref_slice %arg5[%add3A_542, %dma_start3A_588] : memref<64x1000000xf32, #tpu.memory_space<hbm>> -> memref<1x1000000xf32, #tpu.memory_space<hbm>>
      %dma_start3A_590 = tpu.memref_squeeze %dma_start3A_589 : memref<1x1000000xf32, #tpu.memory_space<hbm>> -> memref<1000000xf32, #tpu.memory_space<hbm>>
      %dma_start3A_591 = tpu.memref_slice %dma_start3A_590[%multiple_of3A_586] : memref<1000000xf32, #tpu.memory_space<hbm>> -> memref<31360xf32, #tpu.memory_space<hbm>>
      tpu.enqueue_dma source(%dma_start3A_591 : memref<31360xf32, #tpu.memory_space<hbm>>) target(%dma_start3A_587 : memref<31360xf32, #tpu.memory_space<vmem_shared>>) target_semaphore(%arg16 : memref<!tpu.dma_semaphore, #tpu.memory_space<semaphore_mem>>)
      %mul3A_592 = arith.constant 0 : i32
      %mul3A_593 = arith.constant 499968 : i32
      %mul3A_594 = arith.muli %mul3A_592, %mul3A_593 : i32
      %add3A_595 = arith.addi %mul3A_594, %min3A_519 : i32
      %multiple_of3A_596 = tpu.assume_multiple %add3A_595, 128 : i32
      %dma_wait3A_597 = tpu.memref_slice %arg14[%min3A_519] : memref<500096xf32, #tpu.memory_space<vmem_shared>> -> memref<31360xf32, #tpu.memory_space<vmem_shared>>
      %dma_wait3A_598 = arith.constant 0 : i32
      %dma_wait3A_599 = tpu.memref_slice %arg5[%add3A_542, %dma_wait3A_598] : memref<64x1000000xf32, #tpu.memory_space<hbm>> -> memref<1x1000000xf32, #tpu.memory_space<hbm>>
      %dma_wait3A_600 = tpu.memref_squeeze %dma_wait3A_599 : memref<1x1000000xf32, #tpu.memory_space<hbm>> -> memref<1000000xf32, #tpu.memory_space<hbm>>
      %dma_wait3A_601 = tpu.memref_slice %dma_wait3A_600[%multiple_of3A_596] : memref<1000000xf32, #tpu.memory_space<hbm>> -> memref<31360xf32, #tpu.memory_space<hbm>>
      tpu.wait_dma2 semaphore(%arg16 : memref<!tpu.dma_semaphore, #tpu.memory_space<semaphore_mem>>) src(%dma_wait3A_601 : memref<31360xf32, #tpu.memory_space<hbm>>) dst(%dma_wait3A_597 : memref<31360xf32, #tpu.memory_space<vmem_shared>>)
      %add3A_602 = arith.constant 1 : i32
      %add3A_603 = arith.addi %scan3A_539, %add3A_602 : i32
      %lt3A = arith.constant 32 : i32
      %lt3A_604 = arith.cmpi slt, %add3A_603, %lt3A : i32
      %convert_element_type3A = arith.extui %lt3A_604 : i1 to i32
      %cond3A = arith.constant 0 : i32
      %cond3A_605 = arith.cmpi ne, %convert_element_type3A, %cond3A : i32
      scf.if %cond3A_605 {
        %add3A_616 = arith.constant 1 : i32
        %add3A_617 = arith.addi %add3A_542, %add3A_616 : i32
        %mul3A_618 = arith.constant 0 : i32
        %mul3A_619 = arith.constant 499968 : i32
        %mul3A_620 = arith.muli %mul3A_618, %mul3A_619 : i32
        %add3A_621 = arith.addi %mul3A_620, %min3A_519 : i32
        %multiple_of3A_622 = tpu.assume_multiple %add3A_621, 128 : i32
        %dma_start3A_623 = tpu.memref_slice %arg14[%min3A_519] : memref<500096xf32, #tpu.memory_space<vmem_shared>> -> memref<31360xf32, #tpu.memory_space<vmem_shared>>
        %dma_start3A_624 = arith.constant 0 : i32
        %dma_start3A_625 = tpu.memref_slice %arg4[%add3A_617, %dma_start3A_624] : memref<64x1000000xf32, #tpu.memory_space<hbm>> -> memref<1x1000000xf32, #tpu.memory_space<hbm>>
        %dma_start3A_626 = tpu.memref_squeeze %dma_start3A_625 : memref<1x1000000xf32, #tpu.memory_space<hbm>> -> memref<1000000xf32, #tpu.memory_space<hbm>>
        %dma_start3A_627 = tpu.memref_slice %dma_start3A_626[%multiple_of3A_622] : memref<1000000xf32, #tpu.memory_space<hbm>> -> memref<31360xf32, #tpu.memory_space<hbm>>
        tpu.enqueue_dma source(%dma_start3A_627 : memref<31360xf32, #tpu.memory_space<hbm>>) target(%dma_start3A_623 : memref<31360xf32, #tpu.memory_space<vmem_shared>>) target_semaphore(%arg16 : memref<!tpu.dma_semaphore, #tpu.memory_space<semaphore_mem>>)
      } else {
      }
      %mul3A_606 = arith.constant 1 : i32
      %mul3A_607 = arith.constant 499968 : i32
      %mul3A_608 = arith.muli %mul3A_606, %mul3A_607 : i32
      %add3A_609 = arith.addi %mul3A_608, %min3A_519 : i32
      %multiple_of3A_610 = tpu.assume_multiple %add3A_609, 128 : i32
      %dma_wait3A_611 = tpu.memref_slice %arg15[%min3A_519] : memref<500096xf32, #tpu.memory_space<vmem_shared>> -> memref<31360xf32, #tpu.memory_space<vmem_shared>>
      %dma_wait3A_612 = arith.constant 0 : i32
      %dma_wait3A_613 = tpu.memref_slice %arg5[%add3A_542, %dma_wait3A_612] : memref<64x1000000xf32, #tpu.memory_space<hbm>> -> memref<1x1000000xf32, #tpu.memory_space<hbm>>
      %dma_wait3A_614 = tpu.memref_squeeze %dma_wait3A_613 : memref<1x1000000xf32, #tpu.memory_space<hbm>> -> memref<1000000xf32, #tpu.memory_space<hbm>>
      %dma_wait3A_615 = tpu.memref_slice %dma_wait3A_614[%multiple_of3A_610] : memref<1000000xf32, #tpu.memory_space<hbm>> -> memref<31360xf32, #tpu.memory_space<hbm>>
      tpu.wait_dma2 semaphore(%arg16 : memref<!tpu.dma_semaphore, #tpu.memory_space<semaphore_mem>>) src(%dma_wait3A_615 : memref<31360xf32, #tpu.memory_space<hbm>>) dst(%dma_wait3A_611 : memref<31360xf32, #tpu.memory_space<vmem_shared>>)
    }
    %scan3A_535 = arith.constant 32 : i32
    %mul3A_536 = arith.constant 16384 : i32
    %mul3A_537 = arith.muli %arg0, %mul3A_536 : i32
    %add3A_538 = arith.addi %mul3A_537, %mul3A_1 : i32
    "tpu.region"() ({
      %run_scoped3A = tpu.sem_alloc : memref<!tpu.dma_semaphore, #tpu.memory_space<semaphore_mem>>
      %dma_start3A_539 = arith.constant 0 : i32
      %dma_start3A_540 = tpu.memref_slice %arg13[%dma_start3A_539] : memref<1280xf32, #tpu.memory_space<vmem>> -> memref<1024xf32, #tpu.memory_space<vmem>>
      %dma_start3A_541 = tpu.memref_slice %arg6[%add3A_538] : memref<32768xf32, #tpu.memory_space<hbm>> -> memref<1024xf32, #tpu.memory_space<hbm>>
      %dma_start3A_542 = tpu.memref_slice %arg6[%add3A_538] : memref<32768xf32, #tpu.memory_space<hbm>> -> memref<1024xf32, #tpu.memory_space<hbm>>
      %dma_start3A_543 = arith.constant 0 : i32
      %dma_start3A_544 = tpu.memref_slice %arg13[%dma_start3A_543] : memref<1280xf32, #tpu.memory_space<vmem>> -> memref<1024xf32, #tpu.memory_space<vmem>>
      tpu.enqueue_dma source(%dma_start3A_544 : memref<1024xf32, #tpu.memory_space<vmem>>) target(%dma_start3A_542 : memref<1024xf32, #tpu.memory_space<hbm>>) target_semaphore(%run_scoped3A : memref<!tpu.dma_semaphore, #tpu.memory_space<semaphore_mem>>)
      %dma_wait3A = arith.constant 0 : i32
      %dma_wait3A_545 = tpu.memref_slice %arg13[%dma_wait3A] : memref<1280xf32, #tpu.memory_space<vmem>> -> memref<1024xf32, #tpu.memory_space<vmem>>
      %dma_wait3A_546 = tpu.memref_slice %arg6[%add3A_538] : memref<32768xf32, #tpu.memory_space<hbm>> -> memref<1024xf32, #tpu.memory_space<hbm>>
      %dma_wait3A_547 = tpu.memref_slice %arg6[%add3A_538] : memref<32768xf32, #tpu.memory_space<hbm>> -> memref<1024xf32, #tpu.memory_space<hbm>>
      %dma_wait3A_548 = arith.constant 0 : i32
      %dma_wait3A_549 = tpu.memref_slice %arg13[%dma_wait3A_548] : memref<1280xf32, #tpu.memory_space<vmem>> -> memref<1024xf32, #tpu.memory_space<vmem>>
      tpu.wait_dma2 semaphore(%run_scoped3A : memref<!tpu.dma_semaphore, #tpu.memory_space<semaphore_mem>>) src(%dma_wait3A_549 : memref<1024xf32, #tpu.memory_space<vmem>>) dst(%dma_wait3A_547 : memref<1024xf32, #tpu.memory_space<hbm>>)
      tpu.yield
    }) : () -> ()
    return
  }
}

</mosaic_0001>

<sc_bundles>
// kernel: kernel.3.cloned.1.call-start
scs
__scs_entry_jumppad:
0x0: {  	(pc) =	sbr.rel $0x88, $3  }
0x1: {  	(tag) =	ssettag $0x0;
	lr =	simm.s32 $0x1  }
0x2: {  	[smem:$0x3F9D] =	sst lr;
	_ =	strace $0xD0000000  }
0x3: {  	_ = 	snop  }
0x4: {  	_ = 	snop  }
0x5: {  	_ = 	snop  }
0x6: {  	_ = 	snop  }
0x7: {  	_ = 	snop  }
__scs_overlays_trampoline_lowered:
0x8: {  	[smem:$0x3FAC] =	sst s0  }
0x9: {  	[smem:$0x3FAD] =	sst s1  }
0xa: {  	[smem:$0x3FAE] =	sst s2  }
0xb: {  	[smem:$0x3FAF] =	sst s3  }
0xc: {  	[smem:$0x3FB0] =	sst s4  }
0xd: {  	[smem:$0x3FB1] =	sst s5  }
0xe: {  	[smem:$0x3FB2] =	sst s6  }
0xf: {  	[smem:$0x3FB3] =	sst s7  }
0x10: {  	[smem:$0x3FB4] =	sst s8  }
0x11: {  	[smem:$0x3FB5] =	sst s9;
	s0 =	simm.s32 @!p0 $0x0  }
0x12: {  	s1 =	sld [smem:$0x3F9B];
	s0 =	simm.s32 @p0 $0x1  }
0x13: {  	[smem:$0x3FB6] =	sst s0;
	s0 =	simm.s32 @!p1 $0x0  }
0x14: {  	s2 =	sld [smem:$0x3F9A];
	s0 =	simm.s32 @p1 $0x1  }
0x15: {  	[smem:$0x3FB7] =	sst s0;
	s0 =	simm.s32 @!p2 $0x0  }
0x16: {  	s3 =	sld [smem:$0x3FDB];
	s0 =	simm.s32 @p2 $0x1  }
0x17: {  	s4 =	simm.s32 $0x1BF5;
	[smem:$0x3FB9] =	sst s0  }
0x18: {  	s0 =	sld [smem:$0x3F9C];
	_ =	swait.ge [sflag:s4], $0x0  }
0x19: {  	s7 =	sld [smem:$0x3F9D]  }
0x1a: {  	s8 =	sadd.s32 $0xFFFFE003, lr  }
0x1b: {  	s9 =	sadd.s32 $0xFFFFFEF7, lr;
	s5 =	simm.s32 $0xFFFFFFFF;
	p2 =	slt.u32 s8, $0xFFFFF086  }
0x1c: {  	p1 =	slt.u32 s9, $0xF7A;
	s5 =	simm.s32 @!p2 $0x0  }
0x1d: {  	s5 =	simm.s32 @p1 $0x1;
	p0 =	seq.s32 s7, s2  }
0x1e: {  	s7 =	smul.u32 @!p0 $0xF7A, s2;
	p2 =	seq.s32 @!p0 s5, $0x0  }
0x1f: {  	s9 =	smul.u32 $0xF7A, s1;
	s8 =	simm.s32 @!p0 $0x1BF5;
	p2 =	por !p2, p0  }
0x20: {  	[sflag:s8] =	ssyncset.s32 @!p0 $0xFFFFF086;
	s6 =	sadd.s32 @!p0 s3, s7;
	s7 =	simm.s32 @!p0 $0x108  }
0x21: {  	s3 =	sadd.s32 s3, s9;
	s6 =	sadd.s32 @!p0 $0x88, s6;
	s7 =	simm.s32 @p2 $0x1082  }
0x22: {  	[simem:s7], [sflag:s8] =	dma.local @!p0 [hbm:s6], $0xF7A  }
0x23: {  	s9 =	sor.u32 $0xD0000000, s2;
	s6 =	simm.s32 $0x108;
	_ =	swait.ge @!p0 [sflag:s8], $0x0  }
0x24: {  	s3 =	sadd.s32 $0x88, s3;
	s6 =	simm.s32 @!p1 $0x1082;
	[sflag:s4] =	ssyncset.s32 $0xFFFFF086  }
0x25: {  	[simem:s6], [sflag:s4] =	dma.local [hbm:s3], $0xF7A  }
0x26: {  	[smem:$0x3F9D] =	sst s1;
	(tag) =	ssettag s2;
	_ =	strace s9  }
0x27: {  	s1 =	sld [smem:$0x3FAD]  }
0x28: {  	s2 =	sld [smem:$0x3FAE]  }
0x29: {  	s4 =	sld [smem:$0x3FB0]  }
0x2a: {  	p0 =	seq.s32 s5, $0x0;
	s5 =	sld [smem:$0x3FB1]  }
0x2b: {  	s6 =	sld [smem:$0x3FB2]  }
0x2c: {  	s7 =	sld [smem:$0x3FB3]  }
0x2d: {  	s3 =	simm.s32 $0x108;
	s8 =	sld [smem:$0x3FB4]  }
0x2e: {  	s3 =	simm.s32 @!p0 $0x1082;
	s9 =	sld [smem:$0x3FB5]  }
0x2f: {  	lr =	sadd.s32 s0, s3;
	s0 =	sld [smem:$0x3FAC]  }
0x30: {  	s3 =	sld [smem:$0x3FAF]  }
0x31: {  	[smem:$0x3FB8] =	sst s10  }
0x32: {  	s10 =	sld [smem:$0x3FB6];
	_ =	sdelay $0x3  }
0x33: {  	p0 =	seq.s32 s10, $0x1;
	s10 =	sld [smem:$0x3FB8];
	_ =	sdelay $0x3  }
0x34: {  	[smem:$0x3FB8] =	sst s10  }
0x35: {  	s10 =	sld [smem:$0x3FB7];
	_ =	sdelay $0x3  }
0x36: {  	p1 =	seq.s32 s10, $0x1;
	s10 =	sld [smem:$0x3FB8];
	_ =	sdelay $0x3  }
0x37: {  	[smem:$0x3FB8] =	sst s10  }
0x38: {  	s10 =	sld [smem:$0x3FB9]  }
0x39: {  	_ = 	snop;
	(pc) =	sbr.ind lr, $3  }
0x3a: {  	_ = 	snop  }
0x3b: {  	_ = 	snop  }
0x3c: {  	p2 =	seq.s32 s10, $0x1;
	s10 =	sld [smem:$0x3FB8]  }
0x3d: {  	_ =	shalt  }
0x3e: {  	_ =	shalt  }
0x3f: {  	_ =	shalt  }
0x40: {  	_ =	shalt  }
0x41: {  	_ =	shalt  }
0x42: {  	_ =	shalt  }
0x43: {  	_ =	shalt  }
0x44: {  	_ =	shalt  }
0x45: {  	_ =	shalt  }
0x46: {  	_ =	shalt  }
0x47: {  	_ =	shalt  }
0x48: {  	_ =	shalt  }
0x49: {  	_ =	shalt  }
0x4a: {  	_ =	shalt  }
0x4b: {  	_ =	shalt  }
0x4c: {  	_ =	shalt  }
0x4d: {  	_ =	shalt  }
0x4e: {  	_ =	shalt  }
0x4f: {  	_ =	shalt  }
0x50: {  	_ =	shalt  }
0x51: {  	_ =	shalt  }
0x52: {  	_ =	shalt  }
0x53: {  	_ =	shalt  }
0x54: {  	_ =	shalt  }
0x55: {  	_ =	shalt  }
0x56: {  	_ =	shalt  }
0x57: {  	_ =	shalt  }
0x58: {  	_ =	shalt  }
0x59: {  	_ =	shalt  }
0x5a: {  	_ =	shalt  }
0x5b: {  	_ =	shalt  }
0x5c: {  	_ =	shalt  }
0x5d: {  	_ =	shalt  }
0x5e: {  	_ =	shalt  }
0x5f: {  	_ =	shalt  }
0x60: {  	_ =	shalt  }
0x61: {  	_ =	shalt  }
0x62: {  	_ =	shalt  }
0x63: {  	_ =	shalt  }
0x64: {  	_ =	shalt  }
0x65: {  	_ =	shalt  }
0x66: {  	_ =	shalt  }
0x67: {  	_ =	shalt  }
0x68: {  	_ =	shalt  }
0x69: {  	_ =	shalt  }
0x6a: {  	_ =	shalt  }
0x6b: {  	_ =	shalt  }
0x6c: {  	_ =	shalt  }
0x6d: {  	_ =	shalt  }
0x6e: {  	_ =	shalt  }
0x6f: {  	_ =	shalt  }
0x70: {  	_ =	shalt  }
0x71: {  	_ =	shalt  }
0x72: {  	_ =	shalt  }
0x73: {  	_ =	shalt  }
0x74: {  	_ =	shalt  }
0x75: {  	_ =	shalt  }
0x76: {  	_ =	shalt  }
0x77: {  	_ =	shalt  }
0x78: {  	_ =	shalt  }
0x79: {  	_ =	shalt  }
0x7a: {  	_ =	shalt  }
0x7b: {  	_ =	shalt  }
0x7c: {  	_ =	shalt  }
0x7d: {  	_ =	shalt  }
0x7e: {  	_ =	shalt  }
0x7f: {  	_ =	shalt  }
0x80: {  	_ =	shalt  }
0x81: {  	_ =	shalt  }
0x82: {  	_ =	shalt  }
0x83: {  	_ =	shalt  }
0x84: {  	_ =	shalt  }
0x85: {  	_ =	shalt  }
0x86: {  	_ =	shalt  }
0x87: {  	_ =	shalt  }
.Lfunc_end0:
.L_simem_size_0:
called_computation_lowered:
.L_overlay_start_0:
0x88: {  	s2 =	sld [smem:$0x3FD9]  }
0x89: {  	s3 =	sld [smem:$0x3FFE];
	_ =	sdelay $0x1  }
0x8a: {  	s1 =	srdreg.scid  }
0x8b: {  	s0 =	sand.u32 $0x1, s1  }
0x8c: {  	s17 =	sshll.u32 s0, $0xA;
	s2 =	sadd.s32 s3, s2  }
0x8d: {  	s2 =	sadd.s32 s2, s17  }
0x8e: {  	[smem:$0x3FC4] =	sst s2  }
0x8f: {  	_ = 	snop  }
0x90: {  	s2 =	sld [smem:$0x3FC9]  }
0x91: {  	s18 =	sld [smem:$0x3FC8]  }
0x92: {  	s4 =	sld [smem:$0x3FC7]  }
0x93: {  	s5 =	sld [smem:$0x3FC6];
	(tm) =	ssettm $0x1  }
0x94: {  	s6 =	sld [smem:$0x3FFB];
	_ =	sdelay $0x3  }
0x95: {  	_ =	strace s6  }
0x96: {  	s6 =	sld [smem:$0x3FFC];
	_ =	sdelay $0x3  }
0x97: {  	_ =	strace s6  }
0x98: {  	s6 =	sld [smem:$0x3FFD];
	_ =	sdelay $0x3  }
0x99: {  	_ =	strace s6  }
0x9a: {  	_ =	strace $0x8FFFFFFF  }
0x9b: {  	s19 =	sld [smem:$0x3FDB];
	_ =	sdelay $0x1  }
0x9c: {  	s7 =	simm.s32 $_scs_section_size  }
0x9d: {  	s8 =	simm.s32 $_size__tile_overlayer_lowered;
	s9 =	simm.s32 $_tile_overlayer_lowered  }
0x9e: {  	s22 =	simm.s32 $0x1BFF;
	s21 =	sshll.u32 s9, $0x1;
	s6 =	sadd.s32 s7, s19  }
0x9f: {  	s10 =	simm.s32 $0x0;
	s20 =	sshll.u32 s8, $0x1;
	s8 =	sadd.s32 s21, s6  }
0xa0: {  	[timem:s10], [sflag:s22] =	dma.local [hbm:s8], s20  }
0xa1: {  	_ =	swait.ge [sflag:s22], s20  }
0xa2: {  	s7 =	ssub.s32 $0x0, s20;
	[sflag:s22] =	ssyncset.done $0x0  }
0xa3: {  	[sflag:s22] =	ssyncadd.s32 s7;
	_ =	sdelay $0x1  }
0xa4: {  	s23 =	simm.s32 $0x1B8B  }
0xa5: {  	_ =	swait.ge [sflag:s23], $0x1  }
0xa6: {  	[sflag:s23] =	ssyncset.done $0x0  }
0xa7: {  	s25 =	simm.s32 $0x1B8E;
	s24 =	sld [smem:$0x3FFE];
	[sflag:s23] =	ssyncadd.s32 $0xFFFFFFFF  }
0xa8: {  	s26 =	simm.s32 $execute0_lowered;
	[smem:$0x3FD2] =	sst s25  }
0xa9: {  	s8 =	sshll.u32 s26, $0x1;
	_ =	strace $0x80000046;
	[dreg:$0x1] =	wrdreg $0xFFFFFFFF  }
0xaa: {  	s28 =	simm.s32 $_size_execute0_lowered;
	s6 =	sadd.s32 s6, s8;
	[dreg:$0x0] =	wrdreg $0x0  }
0xab: {  	s8 =	sshll.u32 s28, $0x1;
	[dreg:$0x2] =	wrdreg s6  }
0xac: {  	[dreg:$0x3] =	wrdreg s8  }
0xad: {  	[dreg:$0x4] =	wrdreg $0xC0  }
0xae: {  	_ =	task [dreg:s10], $0x5FFFF  }
0xaf: {  	[dreg:$0x1] =	wrdreg $0xFFFFFFFF  }
0xb0: {  	[dreg:$0x0] =	wrdreg $0x60  }
0xb1: {  	[dreg:$0x2] =	wrdreg s2  }
0xb2: {  	[dreg:$0x3] =	wrdreg s18  }
0xb3: {  	[dreg:$0x4] =	wrdreg s4  }
0xb4: {  	[dreg:$0x5] =	wrdreg s5  }
0xb5: {  	[dreg:$0x6] =	wrdreg s24  }
0xb6: {  	[dreg:$0x7] =	wrdreg $0x13000  }
0xb7: {  	[dreg:$0x8] =	wrdreg $0x8D180  }
0xb8: {  	[dreg:$0x9] =	wrdreg $0x9  }
0xb9: {  	_ =	task.clear_ibuf [dreg:s10], $0xAFFFF;
	_ =	strace $0x90000046  }
0xba: {  	s29 =	simm.s32 $0x9;
	_ =	strace $0x80000048  }
0xbb: {  	_ =	swait.ge [sflag:s29], $0x1  }
0xbc: {  	[sflag:s29] =	ssyncadd.s32 $0xFFFFFFFF  }
0xbd: {  	_ =	strace $0x90000048  }
0xbe: {  	_ =	sfence  }
0xbf: {  	s30 =	sld [smem:$0x0];
	_ =	sdelay $0x2  }
0xc0: {  	s31 =	sshll.u32 s1, $0xD;
	s1 =	sshrl.u32 s1, $0x2  }
0xc1: {  	s3 =	sand.u32 $0x4000, s31;
	s1 =	sadd.s32 s1, s30  }
0xc2: {  	s0 =	sor.u32 s3, s0;
	s1 =	sshll.u32 s1, $0x11  }
0xc3: {  	s0 =	sor.u32 s1, s0  }
0xc4: {  	s0 =	sadd.s32 $0x8F2B, s0  }
0xc5: {  	[sflag:s0] =	ssyncadd.remote.s32 $0x1  }
0xc6: {  	_ =	sfence.sel $0xFFFF  }
0xc7: {  	[dreg:$0x0] =	wrdreg $0xFFFFFFFF;
	(pc) =	sbr.abs _section_cstart, $3  }
0xc8: {  	[dreg:$0x1] =	wrdreg $0xFFFFFFFF  }
0xc9: {  	_ =	task.clear_ibuf [dreg:s10], $0x2FFFF;
	_ =	strace $0x9FFFFFFF  }
0xca: {  	(tm) =	ssettm $0x7FFFFFFF  }
0xcb: {  	_ =	shalt  }
tec
execute0_lowered:
.L_overlay_start_1:
0x0: {  	(tag) =	ssettag $0x1  }
0x1: {  	s0 =	rddreg [dreg:$0x0]  }
0x2: {  	s6 =	rddreg [dreg:$0x1]  }
0x3: {  	s1 =	rddreg [dreg:$0x2]  }
0x4: {  	s2 =	rddreg [dreg:$0x3]  }
0x5: {  	s12 =	rddreg [dreg:$0x4]  }
0x6: {  	s9 =	rddreg [dreg:$0x5]  }
0x7: {  	s10 =	rddreg [dreg:$0x6]  }
0x8: {  	s3 =	srdreg.scid;
	s4 =	simm.s32 $0x0;
	s29 =	stileid.u32  }
0x9: {  	s18 =	simm.s32 $0x1;
	s19 =	simm.s32 $0x10;
	s20 =	simm.s32 $0x80  }
0xa: {  	s23 =	simm.s32 $0x0;
	s15 =	sand.u32 $0x1, s3;
	[smem:$0x7FF] =	sst s4  }
0xb: {  	s13 =	sshll.u32 s29, $0x7;
	s8 =	smul.u32 $0x7A80, s29;
	s5 =	ssub.s32 $0x2, s15  }
0xc: {  	_ =	strace $0x80000047;
	s0 =	sadd.s32 s0, s13;
	s30 =	smul.u32 $0x3D0A00, s15  }
0xd: {  	s6 =	sadd.s32 s6, s13;
	s16 =	smul.u32 $0x1E85000, s15;
	s17 =	sshll.u32 s15, $0xB  }
0xe: {  	s12 =	sadd.s32 s12, s13;
	s7 =	sshrl.u32 s5, $0x1;
	[dreg:$0x8] =	wrdreg s0  }
0xf: {  	s12 =	sadd.s32 s17, s12;
	s14 =	ssub.s32 s5, s7;
	s7 =	smin.u32 s8, $0x72700  }
0x10: {  	s8 =	sshll.u32 s15, $0x5;
	s0 =	sadd.s32 s1, s30;
	s16 =	sshrl.u32 s16, $0x3  }
0x11: {  	s15 =	sshll.u32 s15, $0xC;
	s9 =	sadd.s32 s7, s9;
	s10 =	sadd.s32 s7, s10  }
0x12: {  	s11 =	sadd.s32 $0x7A100, s7;
	s13 =	smax.u32 s14, $0x1;
	s31 =	sadd.s32 $0x2DC7F0, s16  }
0x13: {  	s15 =	sor.u32 $0x80, s15;
	s16 =	simm.s32 $0x2;
	s21 =	sadd.s32 s1, s31  }
0x14: {  	v0 =	vlaneseq.u32;
	v1 =	vimm.s32 $0x3FFFFC00;
	v2 =	vimm.f32 $0.0e+00;
	s17 =	sadd.s32 s7, s0;
	s14 =	sadd.s32 s2, s31;
	s21 =	sadd.s32 s11, s21  }
.LBB2_1:
0x15: {  	s0 =	rddreg [dreg:$0x8]  }
0x16: {  	[tilespmem:s4], [sflag:$0x2] =	stream.linear.gather [hbm4b:s0+s4], $0x400, $0x38;
	[tilespmem:$0x10730] =	vst v63  }
0x17: {  	_ =	swait.ge [sflag:s16], $0x400  }
0x18: {  	[sflag:s16] =	ssyncset.done $0x0  }
0x19: {  	[sflag:s16] =	ssyncadd.s32 $0xFFFFFC00  }
0x1a: {  	v3 =	vld [tilespmem:s4+$0x0];
	_ =	sdelay $0x4  }
0x1b: {  	vm0 =	vgt.s32 v3, $0x7A0FF  }
0x1c: {  	vm1 =	vlt.s32 v3, $0x7A100;
	v4 =	vmpcnt.ones.xlane vm0  }
0x1d: {  	v5 =	vmpcnt.ones.xlane vm1  }
0x1e: {  	(v2sf) =	vpush v4, $0x0  }
0x1f: {  	(v2sf) =	vpush v5, $0x0;
	_ =	sdelay $0xb  }
0x20: {  	v3 =	vshll.u32 v3, $0xA  }
0x21: {  	v3 =	vadd.s32 s4, v3  }
0x22: {  	s25 =	simm.s32 $0x10;
	s26 =	simm.s32 $0x0;
	v3 =	vadd.s32 v0, v3;
	s31 =	spop (v2sf)  }
0x23: {  	s28 =	simm.s32 $0x0;
	[tilespmem:s4+$0x400] =	vst.msk vm1, v3;
	s24 =	ssub.s32 $0x500, s31;
	s0 =	spop (v2sf)  }
.LBB2_2:
0x24: {  	p0 =	sne.s32 s25, $0x3F0;
	[tilespmem:s24+$0x400] =	vst.msk vm0, v3;
	s26 =	sadd.s32 s26, s0;
	s28 =	sadd.s32 $0x10, s28  }
0x25: {  	s0 =	smov.u32 s25;
	s25 =	sadd.s32 $0x10, s25;
	v3 =	vld [tilespmem:s28+$0x0];
	_ =	sdelay $0x4  }
0x26: {  	vm1 =	vlt.s32 v3, $0x7A100;
	vm0 =	vgt.s32 v3, $0x7A0FF;
	v3 =	vshll.u32 v3, $0xA  }
0x27: {  	v3 =	vadd.s32 s0, v3;
	v4 =	vmpcnt.ones.xlane vm0;
	v5 =	vmpcnt.ones.xlane vm1;
	_ =	sdelay $0x1  }
0x28: {  	(v2sf) =	vpush v4, $0x0  }
0x29: {  	(v2sf) =	vpush v5, $0x0;
	_ =	sdelay $0xa  }
.Ltmp0:
0x2a: {  	(pc) =	sbr.rel @p0 .LBB2_2-.Ltmp0, $3  }
0x2b: {  	_ =	sdelay $0x1  }
0x2c: {  	v3 =	vadd.s32 v0, v3;
	s0 =	spop (v2sf)  }
0x2d: {  	s24 =	ssub.s32 s24, s0;
	[tilespmem:s26+$0x400] =	vst.msk vm1, v3;
	s0 =	spop (v2sf)  }
0x2e: {  	[tilespmem:s24+$0x400] =	vst.msk vm0, v3;
	s0 =	sadd.s32 s26, s0  }
0x2f: {  	[tilespmem:s0+$0x400] =	vst v1  }
0x30: {  	[tilespmem:s24+$0x380] =	vst v1  }
0x31: {  	[tilespmem:s0+$0x410] =	vst v1  }
0x32: {  	[tilespmem:s24+$0x390] =	vst v1  }
0x33: {  	[tilespmem:s0+$0x420] =	vst v1  }
0x34: {  	[tilespmem:s24+$0x3A0] =	vst v1  }
0x35: {  	[tilespmem:s0+$0x430] =	vst v1  }
0x36: {  	[tilespmem:s24+$0x3B0] =	vst v1  }
0x37: {  	[tilespmem:s0+$0x440] =	vst v1  }
0x38: {  	[tilespmem:s24+$0x3C0] =	vst v1  }
0x39: {  	[tilespmem:s0+$0x450] =	vst v1  }
0x3a: {  	[tilespmem:s24+$0x3D0] =	vst v1  }
0x3b: {  	[tilespmem:s0+$0x460] =	vst v1  }
0x3c: {  	[tilespmem:s24+$0x3E0] =	vst v1  }
0x3d: {  	[tilespmem:s0+$0x470] =	vst v1  }
0x3e: {  	[tilespmem:s24+$0x3F0] =	vst v1;
	s24 =	simm.s32 $0x0  }
0x3f: {  	[tilespmem:s24], [sflag:$0x2] =	stream.linear.gather [hbm4b:s6+s24], $0x400, $0x38;
	[tilespmem:$0x10730] =	vst v63  }
0x40: {  	_ =	swait.ge [sflag:s16], $0x400  }
0x41: {  	[sflag:s16] =	ssyncset.done $0x0  }
0x42: {  	[sflag:s16] =	ssyncadd.s32 $0xFFFFFC00  }
0x43: {  	v3 =	vld [tilespmem:s24+$0x0];
	_ =	sdelay $0x4  }
0x44: {  	vm0 =	vgt.s32 v3, $0x7A0FF  }
0x45: {  	vm1 =	vlt.s32 v3, $0x7A100;
	v4 =	vmpcnt.ones.xlane vm0  }
0x46: {  	v5 =	vmpcnt.ones.xlane vm1  }
0x47: {  	(v2sf) =	vpush v4, $0x0  }
0x48: {  	(v2sf) =	vpush v5, $0x0;
	_ =	sdelay $0xb  }
0x49: {  	v3 =	vshll.u32 v3, $0xA  }
0x4a: {  	v3 =	vadd.s32 s24, v3  }
0x4b: {  	s26 =	simm.s32 $0x10;
	v3 =	vadd.s32 v0, v3;
	s31 =	spop (v2sf)  }
0x4c: {  	s28 =	simm.s32 $0x0;
	[tilespmem:s24+$0x900] =	vst.msk vm1, v3;
	s25 =	ssub.s32 $0x500, s31;
	s0 =	spop (v2sf)  }
.LBB2_4:
0x4d: {  	p0 =	sne.s32 s26, $0x3F0;
	[tilespmem:s25+$0x900] =	vst.msk vm0, v3;
	s24 =	sadd.s32 s24, s0;
	s28 =	sadd.s32 $0x10, s28  }
0x4e: {  	s0 =	smov.u32 s26;
	s26 =	sadd.s32 $0x10, s26;
	v3 =	vld [tilespmem:s28+$0x0];
	_ =	sdelay $0x4  }
0x4f: {  	vm1 =	vlt.s32 v3, $0x7A100;
	vm0 =	vgt.s32 v3, $0x7A0FF;
	v3 =	vshll.u32 v3, $0xA  }
0x50: {  	v3 =	vadd.s32 s0, v3;
	v4 =	vmpcnt.ones.xlane vm0;
	v5 =	vmpcnt.ones.xlane vm1;
	_ =	sdelay $0x1  }
0x51: {  	(v2sf) =	vpush v4, $0x0  }
0x52: {  	(v2sf) =	vpush v5, $0x0;
	_ =	sdelay $0xa  }
.Ltmp1:
0x53: {  	(pc) =	sbr.rel @p0 .LBB2_4-.Ltmp1, $3  }
0x54: {  	_ =	sdelay $0x1  }
0x55: {  	v3 =	vadd.s32 v0, v3;
	s0 =	spop (v2sf)  }
0x56: {  	s25 =	ssub.s32 s25, s0;
	[tilespmem:s24+$0x900] =	vst.msk vm1, v3;
	s0 =	spop (v2sf)  }
0x57: {  	[tilespmem:s25+$0x900] =	vst.msk vm0, v3;
	s0 =	sadd.s32 s24, s0  }
0x58: {  	[tilespmem:s0+$0x900] =	vst v1  }
0x59: {  	[tilespmem:s25+$0x880] =	vst v1  }
0x5a: {  	[tilespmem:s0+$0x910] =	vst v1  }
0x5b: {  	[tilespmem:s25+$0x890] =	vst v1  }
0x5c: {  	[tilespmem:s0+$0x920] =	vst v1  }
0x5d: {  	[tilespmem:s25+$0x8A0] =	vst v1  }
0x5e: {  	[tilespmem:s0+$0x930] =	vst v1  }
0x5f: {  	[tilespmem:s25+$0x8B0] =	vst v1  }
0x60: {  	[tilespmem:s0+$0x940] =	vst v1  }
0x61: {  	[tilespmem:s25+$0x8C0] =	vst v1  }
0x62: {  	[tilespmem:s0+$0x950] =	vst v1  }
0x63: {  	[tilespmem:s25+$0x8D0] =	vst v1  }
0x64: {  	[tilespmem:s0+$0x960] =	vst v1  }
0x65: {  	[tilespmem:s25+$0x8E0] =	vst v1  }
0x66: {  	[tilespmem:s0+$0x970] =	vst v1  }
0x67: {  	[tilespmem:s25+$0x8F0] =	vst v1  }
0x68: {  	[tilespmem:$0xE00] =	vst v2  }
0x69: {  	[tilespmem:$0xE10] =	vst v2  }
0x6a: {  	[tilespmem:$0xE20] =	vst v2  }
0x6b: {  	[tilespmem:$0xE30] =	vst v2  }
0x6c: {  	[tilespmem:$0xE40] =	vst v2  }
0x6d: {  	[tilespmem:$0xE50] =	vst v2  }
0x6e: {  	[tilespmem:$0xE60] =	vst v2  }
0x6f: {  	[tilespmem:$0xE70] =	vst v2  }
0x70: {  	[tilespmem:$0xE80] =	vst v2  }
0x71: {  	[tilespmem:$0xE90] =	vst v2  }
0x72: {  	[tilespmem:$0xEA0] =	vst v2  }
0x73: {  	[tilespmem:$0xEB0] =	vst v2  }
0x74: {  	[tilespmem:$0xEC0] =	vst v2  }
0x75: {  	[tilespmem:$0xED0] =	vst v2  }
0x76: {  	[tilespmem:$0xEE0] =	vst v2  }
0x77: {  	[tilespmem:$0xEF0] =	vst v2  }
0x78: {  	[tilespmem:$0xF00] =	vst v2  }
0x79: {  	[tilespmem:$0xF10] =	vst v2  }
0x7a: {  	[tilespmem:$0xF20] =	vst v2  }
0x7b: {  	[tilespmem:$0xF30] =	vst v2  }
0x7c: {  	[tilespmem:$0xF40] =	vst v2  }
0x7d: {  	[tilespmem:$0xF50] =	vst v2  }
0x7e: {  	[tilespmem:$0xF60] =	vst v2  }
0x7f: {  	[tilespmem:$0xF70] =	vst v2  }
0x80: {  	[tilespmem:$0xF80] =	vst v2  }
0x81: {  	[tilespmem:$0xF90] =	vst v2  }
0x82: {  	[tilespmem:$0xFA0] =	vst v2  }
0x83: {  	[tilespmem:$0xFB0] =	vst v2  }
0x84: {  	[tilespmem:$0xFC0] =	vst v2  }
0x85: {  	[tilespmem:$0xFD0] =	vst v2  }
0x86: {  	[tilespmem:$0xFE0] =	vst v2  }
0x87: {  	[tilespmem:$0xFF0] =	vst v2  }
0x88: {  	[tilespmem:$0x1000] =	vst v2  }
0x89: {  	[tilespmem:$0x1010] =	vst v2  }
0x8a: {  	[tilespmem:$0x1020] =	vst v2  }
0x8b: {  	[tilespmem:$0x1030] =	vst v2  }
0x8c: {  	[tilespmem:$0x1040] =	vst v2  }
0x8d: {  	[tilespmem:$0x1050] =	vst v2  }
0x8e: {  	[tilespmem:$0x1060] =	vst v2  }
0x8f: {  	[tilespmem:$0x1070] =	vst v2  }
0x90: {  	[tilespmem:$0x1080] =	vst v2  }
0x91: {  	[tilespmem:$0x1090] =	vst v2  }
0x92: {  	[tilespmem:$0x10A0] =	vst v2  }
0x93: {  	[tilespmem:$0x10B0] =	vst v2  }
0x94: {  	[tilespmem:$0x10C0] =	vst v2  }
0x95: {  	[tilespmem:$0x10D0] =	vst v2  }
0x96: {  	[tilespmem:$0x10E0] =	vst v2  }
0x97: {  	[tilespmem:$0x10F0] =	vst v2  }
0x98: {  	[tilespmem:$0x1100] =	vst v2  }
0x99: {  	[tilespmem:$0x1110] =	vst v2  }
0x9a: {  	[tilespmem:$0x1120] =	vst v2  }
0x9b: {  	[tilespmem:$0x1130] =	vst v2  }
0x9c: {  	[tilespmem:$0x1140] =	vst v2  }
0x9d: {  	[tilespmem:$0x1150] =	vst v2  }
0x9e: {  	[tilespmem:$0x1160] =	vst v2  }
0x9f: {  	[tilespmem:$0x1170] =	vst v2  }
0xa0: {  	[tilespmem:$0x1180] =	vst v2  }
0xa1: {  	[tilespmem:$0x1190] =	vst v2  }
0xa2: {  	[tilespmem:$0x11A0] =	vst v2  }
0xa3: {  	[tilespmem:$0x11B0] =	vst v2  }
0xa4: {  	[tilespmem:$0x11C0] =	vst v2  }
0xa5: {  	[tilespmem:$0x11D0] =	vst v2  }
0xa6: {  	[tilespmem:$0x11E0] =	vst v2  }
0xa7: {  	[tilespmem:$0x11F0] =	vst v2  }
0xa8: {  	[tilespmem:$0x1200] =	vst v2  }
0xa9: {  	[tilespmem:$0x1210] =	vst v2  }
0xaa: {  	[tilespmem:$0x1220] =	vst v2  }
0xab: {  	[tilespmem:$0x1230] =	vst v2  }
0xac: {  	[tilespmem:$0x1240] =	vst v2  }
0xad: {  	[tilespmem:$0x1250] =	vst v2  }
0xae: {  	[tilespmem:$0x1260] =	vst v2  }
0xaf: {  	[tilespmem:$0x1270] =	vst v2  }
0xb0: {  	[tilespmem:$0x1280] =	vst v2  }
0xb1: {  	[tilespmem:$0x1290] =	vst v2  }
0xb2: {  	[tilespmem:$0x12A0] =	vst v2  }
0xb3: {  	[tilespmem:$0x12B0] =	vst v2  }
0xb4: {  	s26 =	stileid.u32;
	[tilespmem:$0x12C0] =	vst v2  }
0xb5: {  	s0 =	sshll.u32 s26, $0x6;
	[tilespmem:$0x12D0] =	vst v2  }
0xb6: {  	s3 =	sshrl.u32 s8, $0x3;
	s26 =	simm.s32 $0x0;
	s24 =	sor.u32 $0x1C01, s0;
	[tilespmem:$0x12E0] =	vst v2  }
0xb7: {  	s25 =	sshrl.u32 s9, $0x3;
	s0 =	smul.u32 $0x7A1400, s3;
	s26 =	sand.u32 $0x380, s26;
	[tilespmem:$0x12F0] =	vst v2  }
0xb8: {  	[spmem:s25@s19], [sflag:s24] =	dma.strided [hbm:s17@s20], $0xF50, s18, $0x10   }
0xb9: {  	s0 =	sor.u32 s26, s0  }
0xba: {  	s0 =	sshrl.u32 s0, $0x3  }
0xbb: {  	s5 =	sadd.s32 s1, s0  }
0xbc: {  	s29 =	sadd.s32 $0x1, s8;
	s26 =	sshrl.u32 s10, $0x3;
	s28 =	sadd.s32 s11, s5  }
0xbd: {  	[spmem:s26@s19], [sflag:s24] =	dma.strided [hbm:s28@s20], $0xF50, s18, $0x10   }
0xbe: {  	s22 =	sadd.s32 $0x0, s15;
	s30 =	sshrl.u32 s29, $0x3;
	_ =	swait.ge [sflag:s18], $0xF50  }
0xbf: {  	s22 =	sand.u32 $0x380, s22;
	s0 =	sadd.s32 s2, s0;
	[sflag:s18] =	ssyncset.done $0x0  }
0xc0: {  	s30 =	smul.u32 $0x7A1400, s30;
	s31 =	sadd.s32 s7, s0;
	[sflag:s18] =	ssyncadd.s32 $0xFFFFF0B0  }
0xc1: {  	[spmem:s25@s19], [sflag:s24] =	dma.strided [hbm:s31@s20], $0xF50, s18, $0x10   }
0xc2: {  	s22 =	sor.u32 s22, s30;
	s28 =	simm.s32 $0x80;
	_ =	swait.ge [sflag:s18], $0xF50  }
0xc3: {  	s22 =	sshrl.u32 s22, $0x3;
	s3 =	sand.u32 $0x380, s28;
	[sflag:s18] =	ssyncset.done $0x0  }
0xc4: {  	s0 =	sadd.s32 s11, s0;
	s3 =	sor.u32 s3, s30;
	[sflag:s18] =	ssyncadd.s32 $0xFFFFF0B0  }
0xc5: {  	[spmem:s26@s19], [sflag:s24] =	dma.strided [hbm:s0@s20], $0xF50, s18, $0x10   }
0xc6: {  	s22 =	sadd.s32 s1, s22;
	s30 =	sshrl.u32 s3, $0x3;
	_ =	swait.ge [sflag:s18], $0xF50  }
0xc7: {  	s31 =	simm.s32 $0x100;
	s0 =	sadd.s32 s7, s22;
	[sflag:s18] =	ssyncset.done $0x0  }
.LBB2_6:
0xc8: {  	s3 =	sadd.s32 s1, s30  }
0xc9: {  	[sflag:s18] =	ssyncadd.s32 $0xFFFFF0B0;
	s22 =	smov.u32 s31;
	s5 =	sadd.s32 $0x80, s31  }
0xca: {  	[spmem:s25@s19], [sflag:s24] =	dma.strided [hbm:s0@s20], $0xF50, s18, $0x10   }
0xcb: {  	p0 =	sne.s32 s31, $0xF00;
	_ =	swait.ge [sflag:s18], $0xF50  }
0xcc: {  	s29 =	sadd.s32 $0x1, s29;
	[sflag:s18] =	ssyncset.done $0x0  }
0xcd: {  	s0 =	sadd.s32 s11, s3;
	[sflag:s18] =	ssyncadd.s32 $0xFFFFF0B0  }
0xce: {  	[spmem:s26@s19], [sflag:s24] =	dma.strided [hbm:s0@s20], $0xF50, s18, $0x10   }
0xcf: {  	s0 =	sshrl.u32 s29, $0x3;
	_ =	swait.ge [sflag:s18], $0xF50  }
0xd0: {  	s3 =	sadd.s32 s2, s30;
	s0 =	smul.u32 $0x7A1400, s0;
	[sflag:s18] =	ssyncset.done $0x0  }
0xd1: {  	s28 =	sadd.s32 s28, s15;
	s30 =	sadd.s32 s7, s3;
	[sflag:s18] =	ssyncadd.s32 $0xFFFFF0B0  }
0xd2: {  	s31 =	sand.u32 $0x380, s28;
	s28 =	smov.u32 s22  }
0xd3: {  	[spmem:s25@s19], [sflag:s24] =	dma.strided [hbm:s30@s20], $0xF50, s18, $0x10   }
0xd4: {  	s3 =	sadd.s32 s11, s3;
	s22 =	sor.u32 s31, s0;
	_ =	swait.ge [sflag:s18], $0xF50  }
.Ltmp2:
0xd5: {  	s22 =	sshrl.u32 s22, $0x3;
	[sflag:s18] =	ssyncset.done $0x0;
	(pc) =	sbr.rel @p0 .LBB2_6-.Ltmp2, $4  }
0xd6: {  	s30 =	sand.u32 $0x380, s28;
	s22 =	sadd.s32 s1, s22;
	[sflag:s18] =	ssyncadd.s32 $0xFFFFF0B0  }
0xd7: {  	[spmem:s26@s19], [sflag:s24] =	dma.strided [hbm:s3@s20], $0xF50, s18, $0x10   }
0xd8: {  	s3 =	sor.u32 s30, s0;
	s0 =	sadd.s32 s7, s22;
	_ =	swait.ge [sflag:s18], $0xF50  }
0xd9: {  	s31 =	smov.u32 s5;
	s30 =	sshrl.u32 s3, $0x3;
	[sflag:s18] =	ssyncset.done $0x0  }
0xda: {  	[sflag:s18] =	ssyncadd.s32 $0xFFFFF0B0  }
0xdb: {  	[spmem:s25@s19], [sflag:s24] =	dma.strided [hbm:s0@s20], $0xF50, s18, $0x10   }
0xdc: {  	_ =	swait.ge [sflag:s18], $0xF50  }
0xdd: {  	s5 =	sadd.s32 s1, s30;
	[sflag:s18] =	ssyncset.done $0x0  }
0xde: {  	s0 =	sadd.s32 s11, s5;
	[sflag:s18] =	ssyncadd.s32 $0xFFFFF0B0  }
0xdf: {  	[spmem:s26@s19], [sflag:s24] =	dma.strided [hbm:s0@s20], $0xF50, s18, $0x10   }
0xe0: {  	_ =	swait.ge [sflag:s18], $0xF50  }
0xe1: {  	s22 =	sadd.s32 $0x1, s29;
	s3 =	sadd.s32 s2, s30;
	[sflag:s18] =	ssyncset.done $0x0  }
0xe2: {  	s5 =	sadd.s32 s7, s3;
	s0 =	sshrl.u32 s22, $0x3;
	[sflag:s18] =	ssyncadd.s32 $0xFFFFF0B0  }
0xe3: {  	[spmem:s25@s19], [sflag:s24] =	dma.strided [hbm:s5@s20], $0xF50, s18, $0x10   }
0xe4: {  	s28 =	sadd.s32 s28, s15;
	s0 =	smul.u32 $0x7A1400, s0;
	_ =	swait.ge [sflag:s18], $0xF50  }
0xe5: {  	s5 =	sand.u32 $0x380, s28;
	[sflag:s18] =	ssyncset.done $0x0  }
0xe6: {  	s3 =	sadd.s32 s11, s3;
	s0 =	sor.u32 s5, s0;
	[sflag:s18] =	ssyncadd.s32 $0xFFFFF0B0  }
0xe7: {  	[spmem:s26@s19], [sflag:s24] =	dma.strided [hbm:s3@s20], $0xF50, s18, $0x10   }
0xe8: {  	s0 =	sshrl.u32 s0, $0x3;
	_ =	swait.ge [sflag:s18], $0xF50  }
0xe9: {  	s0 =	sadd.s32 s1, s0;
	[sflag:s18] =	ssyncset.done $0x0  }
0xea: {  	s0 =	sadd.s32 s7, s0;
	[sflag:s18] =	ssyncadd.s32 $0xFFFFF0B0  }
0xeb: {  	[spmem:s25@s19], [sflag:s24] =	dma.strided [hbm:s0@s20], $0xF50, s18, $0x10   }
0xec: {  	_ =	swait.ge [sflag:s18], $0xF50  }
0xed: {  	[sflag:s18] =	ssyncset.done $0x0  }
0xee: {  	[sflag:s18] =	ssyncadd.s32 $0xFFFFF0B0  }
0xef: {  	[spmem:s26@s19], [sflag:s24] =	dma.strided [hbm:s21@s20], $0xF50, s18, $0x10   }
0xf0: {  	_ =	swait.ge [sflag:s18], $0xF50  }
0xf1: {  	[sflag:s18] =	ssyncset.done $0x0  }
0xf2: {  	s29 =	sadd.s32 s7, s14;
	[sflag:s18] =	ssyncadd.s32 $0xFFFFF0B0  }
0xf3: {  	[spmem:s25@s19], [sflag:s24] =	dma.strided [hbm:s29@s20], $0xF50, s18, $0x10   }
0xf4: {  	_ =	swait.ge [sflag:s18], $0xF50  }
0xf5: {  	[sflag:s18] =	ssyncset.done $0x0  }
0xf6: {  	s30 =	sadd.s32 s11, s14;
	[sflag:s18] =	ssyncadd.s32 $0xFFFFF0B0  }
0xf7: {  	[spmem:s26@s19], [sflag:s24] =	dma.strided [hbm:s30@s20], $0xF50, s18, $0x10   }
0xf8: {  	_ =	swait.ge [sflag:s18], $0xF50  }
0xf9: {  	[sflag:s18] =	ssyncset.done $0x0  }
0xfa: {  	[sflag:s18] =	ssyncadd.s32 $0xFFFFF0B0  }
0xfb: {  	s23 =	sadd.s32 $0x1, s23;
	_ =	swait.ge [sflag:s18], $0xF50  }
0xfc: {  	p0 =	sne.s32 s23, s13;
	[sflag:s18] =	ssyncset.done $0x0  }
.Ltmp3:
0xfd: {  	s31 =	simm.s32 $0xE00;
	[sflag:s18] =	ssyncadd.s32 $0xFFFFF0B0;
	(pc) =	sbr.rel @p0 .LBB2_1-.Ltmp3, $4  }
0xfe: {  	[hbm4b:s12+s4] =	stream.linear.scatter [tilespmem:s31], [sflag:$0x2], $0x400, $0x38;
	[tilespmem:$0x10730] =	vst v63  }
0xff: {  	_ =	swait.ge [sflag:s16], $0x400  }
0x100: {  	[sflag:s16] =	ssyncset.done $0x0  }
0x101: {  	[sflag:s16] =	ssyncadd.s32 $0xFFFFFC00  }
0x102: {  	_ =	sfence.sel $0x180000  }
0x103: {  	[bflag:$0x0] =	sbarrier.arrive $0xFFFF  }
0x104: {  	_ =	strace $0x90000047  }
0x105: {  	s0 =	stileid.u32;
	[bflag:$0x2] =	sbarrier.arrive $0xFFFF  }
0x106: {  	p0 =	sne.s32 s0, $0x0;
	s0 =	rddreg [dreg:$0x7]  }
0x107: {  	s0 =	sadd.s32 @!p0 $0x100000, s0  }
0x108: {  	[sflag:s0] =	ssyncadd.tile.s32 @!p0 $0x1;
	_ =	shalt  }
.Lfunc_end2:
_tile_overlayer_lowered:
.L_overlay_start_2:
0x109: {  	(tag) =	ssettag $0x2  }
0x10a: {  	s0 =	rddreg [dreg:$0x0];
	s2 =	stileid.u32  }
0x10b: {  	s1 =	rddreg [dreg:$0x1];
	p0 =	sne.s32 s2, $0x0  }
0x10c: {  	s3 =	rddreg [dreg:$0x2];
	[bflag:$0x3] =	sbarrier.arrive $0xFFFF;
	s2 =	simm.s32 @!p0 $0x1C02  }
0x10d: {  	[timem:s3], [sflag:s2] =	dma.local @!p0 [hbm:s0], s1  }
0x10e: {  	s0 =	simm.s32 @!p0 $0x2  }
0x10f: {  	_ =	swait.ge @!p0 [sflag:s0], s1  }
0x110: {  	s1 =	ssub.s32 @!p0 $0x0, s1;
	[sflag:s0] =	ssyncset.done @!p0 $0x0  }
0x111: {  	[sflag:s0] =	ssyncadd.s32 @!p0 s1  }
0x112: {  	[bflag:$0x3] =	sbarrier.arrive $0xFFFF  }
0x113: {  	_ =	shalt  }

</sc_bundles>
